<compile_context>
chip_gen: v7x
topology: tpu7x:2x2x1
jax: 0.10.2.dev20260603
libtpu: 0.0.44.dev20260713+nightly
codegen_flags: <defaults>
</compile_context>

<pallas_src>
import functools

import jax
import jax.numpy as jnp
from jax import lax
from jax.experimental import pallas as pl
from jax.experimental.pallas import tpu as pltpu
from jax.experimental.pallas import tpu_sc as plsc

K = 2
TM = 256
NC, NS = 2, 16
NW = NC * NS


def _dispatch_sc(x_hbm, p0_hbm, p1_hbm, xs_hbm, rows_v, i0_v, i1_v, sem, *,
                 cpw):
    wid = lax.axis_index("s") * NC + lax.axis_index("c")
    base = wid * cpw
    pltpu.sync_copy(x_hbm.at[pl.ds(base, cpw)], rows_v)
    pltpu.sync_copy(p0_hbm.at[pl.ds(base, cpw)], i0_v)
    pltpu.sync_copy(p1_hbm.at[pl.ds(base, cpw)], i1_v)
    c0 = pltpu.async_copy(rows_v, xs_hbm.at[i0_v], sem)
    c1 = pltpu.async_copy(rows_v, xs_hbm.at[i1_v], sem)
    c0.wait()
    c1.wait()


def _combine_sc(y_hbm, p0_hbm, p1_hbm, w1_hbm, w2_hbm, out_hbm,
                r0_v, r1_v, o_v, i0_v, i1_v, w1_v, w2_v, s0, s1, *,
                cpw, ch, h):
    wid = lax.axis_index("s") * NC + lax.axis_index("c")
    base = wid * cpw
    pltpu.sync_copy(p0_hbm.at[pl.ds(base, cpw)], i0_v)
    pltpu.sync_copy(p1_hbm.at[pl.ds(base, cpw)], i1_v)
    pltpu.sync_copy(w1_hbm.at[pl.ds(base, cpw)], w1_v)
    pltpu.sync_copy(w2_hbm.at[pl.ds(base, cpw)], w2_v)
    for c in range(cpw // ch):
        g0 = pltpu.async_copy(y_hbm.at[i0_v.at[pl.ds(c * ch, ch)]], r0_v, s0)
        g1 = pltpu.async_copy(y_hbm.at[i1_v.at[pl.ds(c * ch, ch)]], r1_v, s1)
        g0.wait()
        g1.wait()
        for i in range(ch):
            lane_i = jnp.full((16,), c * ch + i, jnp.int32)
            ws0 = plsc.load_gather(w1_v, [lane_i])
            ws1 = plsc.load_gather(w2_v, [lane_i])

            def body(j, carry, i=i, ws0=ws0, ws1=ws1):
                sl = pl.ds(j * 16, 16)
                o_v[i, sl] = r0_v[i, sl] * ws0 + r1_v[i, sl] * ws1
                return carry

            lax.fori_loop(0, h // 16, body, 0, unroll=8)
        pltpu.sync_copy(o_v, out_hbm.at[pl.ds(base + c * ch, ch)])


def _router_kernel(x_ref, gwt_ref, logits_ref, p0_ref, p1_ref, w1_ref, w2_ref,
                   xbf_ref, cnt_ref, off_ref, se_ref, st_ref, ns_ref):
    xf = x_ref[...]
    x = xf.astype(jnp.bfloat16)
    xbf_ref[...] = x
    logits = jnp.dot(x, gwt_ref[...].astype(jnp.bfloat16),
                     preferred_element_type=jnp.float32)
    logits_ref[...] = logits
    t, e = logits.shape
    lane = jax.lax.broadcasted_iota(jnp.int32, logits.shape, 1)
    l1 = jnp.max(logits, axis=1, keepdims=True)
    i1 = jnp.min(jnp.where(logits == l1, lane, e), axis=1, keepdims=True)
    masked = jnp.where(lane == i1, -jnp.inf, logits)
    l2 = jnp.max(masked, axis=1, keepdims=True)
    i2 = jnp.min(jnp.where(masked == l2, lane, e), axis=1, keepdims=True)
    r = jnp.exp(l2 - l1)
    w1_ref[...] = 1.0 / (1.0 + r)
    w2_ref[...] = 1.0 - 1.0 / (1.0 + r)

    oh1 = (lane == i1)
    oh2 = (lane == i2)
    oh_i = (oh1 | oh2).astype(jnp.int32)
    zrow = jnp.zeros((1, e), jnp.int32)
    c_excl = jnp.concatenate([zrow, oh_i[:-1]], axis=0)
    s = 1
    while s < t:
        c_excl = c_excl + jnp.concatenate(
            [jnp.zeros((min(s, t), e), jnp.int32), c_excl[:-s]], axis=0)
        s *= 2
    c_excl = c_excl.astype(jnp.float32)
    counts = jnp.sum(oh_i, axis=0, keepdims=True).astype(jnp.float32)
    er = jax.lax.broadcasted_iota(jnp.int32, (e, e), 0)
    ec = jax.lax.broadcasted_iota(jnp.int32, (e, e), 1)
    tri_e = (er < ec).astype(jnp.float32)
    off = jnp.dot(counts, tri_e, preferred_element_type=jnp.float32,
                  precision=jax.lax.Precision.HIGHEST)
    base = off + c_excl
    p0_ref[...] = jnp.sum(jnp.where(oh1, base, 0.0), axis=1,
                          keepdims=True).astype(jnp.int32)
    p1_ref[...] = jnp.sum(jnp.where(oh2, base, 0.0), axis=1,
                          keepdims=True).astype(jnp.int32)
    cnt_i = counts.astype(jnp.int32)
    off_i = off.astype(jnp.int32)
    ft = off_i // TM
    last = off_i + cnt_i - 1
    nt = jnp.where(cnt_i > 0, last // TM - ft + 1, 0)
    cnt_ref[...] = cnt_i
    off_ref[...] = off_i

    g = se_ref.shape[0]
    nt_f = nt.astype(jnp.float32)
    cume = jnp.dot(nt_f, tri_e, preferred_element_type=jnp.float32,
                   precision=jax.lax.Precision.HIGHEST)
    ns_ref[...] = jnp.sum(nt, axis=1, keepdims=True)
    srow = jax.lax.broadcasted_iota(jnp.int32, (g, e), 0)
    slane = jax.lax.broadcasted_iota(jnp.int32, (g, e), 1)
    cb = jnp.broadcast_to(cume.astype(jnp.int32), (g, e))
    se = jnp.sum((cb <= srow).astype(jnp.int32), axis=1, keepdims=True) - 1
    ohse = slane == se
    ft_b = jnp.broadcast_to(ft, (g, e))
    cume_b = jnp.broadcast_to(cume.astype(jnp.int32), (g, e))
    ftse = jnp.sum(jnp.where(ohse, ft_b, 0), axis=1, keepdims=True)
    cumese = jnp.sum(jnp.where(ohse, cume_b, 0), axis=1, keepdims=True)
    sidx = jax.lax.broadcasted_iota(jnp.int32, (g, 1), 0)
    ntiles = (t * K) // TM
    st = ftse + sidx - cumese
    st = jnp.clip(st, 0, ntiles - 1)
    se_ref[...] = se
    st_ref[...] = st


def _gmm_kernel(se_ref, st_ref, ns_ref, off_ref, cnt_ref,
                xs_ref, gp_ref, up_ref, dp_ref, y_ref, *, tm):
    s = pl.program_id(0)

    @pl.when(s < ns_ref[0])
    def _():
        e = se_ref[s]
        tile = st_ref[s]
        start = tile * tm
        off = off_ref[e]
        cnt = cnt_ref[e]
        rows = start + jax.lax.broadcasted_iota(jnp.int32, (tm, 1), 0)
        mask = (rows >= off) & (rows < off + cnt)
        xb = xs_ref[...]
        xg = jnp.dot(xb, gp_ref[0], preferred_element_type=jnp.float32)
        xu = jnp.dot(xb, up_ref[0], preferred_element_type=jnp.float32)
        h = (xg * jax.nn.sigmoid(xg)) * xu
        y = jnp.dot(h.astype(jnp.bfloat16), dp_ref[0],
                    preferred_element_type=jnp.float32)
        first = off <= start
        prev = jnp.where(first, jnp.zeros_like(y), y_ref[...])
        y_ref[...] = jnp.where(mask, y, prev)


def kernel(hidden_states, gate_w, gate_proj, up_proj, down_proj):
    B, S, H = hidden_states.shape
    E, _, FF = gate_proj.shape
    T = B * S
    A = T * K
    x = hidden_states.reshape(T, H)

    NT = A // TM
    G = (NT + E - 1 + 7) // 8 * 8
    (logits, p0, p1, w1, w2, xbf, cnt, off, se, st, ns) = pl.pallas_call(
        _router_kernel,
        out_shape=(
            jax.ShapeDtypeStruct((T, E), jnp.float32),
            jax.ShapeDtypeStruct((T, 1), jnp.int32),
            jax.ShapeDtypeStruct((T, 1), jnp.int32),
            jax.ShapeDtypeStruct((T, 1), jnp.float32),
            jax.ShapeDtypeStruct((T, 1), jnp.float32),
            jax.ShapeDtypeStruct((T, H), jnp.bfloat16),
            jax.ShapeDtypeStruct((1, E), jnp.int32),
            jax.ShapeDtypeStruct((1, E), jnp.int32),
            jax.ShapeDtypeStruct((G, 1), jnp.int32),
            jax.ShapeDtypeStruct((G, 1), jnp.int32),
            jax.ShapeDtypeStruct((1, 1), jnp.int32),
        ),
    )(x, gate_w.T)

    p0f = p0.reshape(T)
    p1f = p1.reshape(T)

    HW = H // 2
    x_i32 = jax.lax.bitcast_convert_type(xbf.reshape(T, HW, 2), jnp.int32)
    cpw = T // NW
    xs_i32 = pl.kernel(
        functools.partial(_dispatch_sc, cpw=cpw),
        out_type=jax.ShapeDtypeStruct((A, HW), jnp.int32),
        mesh=plsc.VectorSubcoreMesh(core_axis_name="c", subcore_axis_name="s"),
        compiler_params=pltpu.CompilerParams(needs_layout_passes=False),
        scratch_types=[
            pltpu.VMEM((cpw, HW), jnp.int32),
            pltpu.VMEM((cpw,), jnp.int32),
            pltpu.VMEM((cpw,), jnp.int32),
            pltpu.SemaphoreType.DMA,
        ],
    )(x_i32, p0f, p1f)
    xs = jax.lax.bitcast_convert_type(xs_i32, jnp.bfloat16).reshape(A, H)

    def x_idx(s, se, st, ns, off, cnt):
        return (st[s], 0)

    def w_idx(s, se, st, ns, off, cnt):
        return (se[s], 0, 0)

    grid_spec = pltpu.PrefetchScalarGridSpec(
        num_scalar_prefetch=5,
        grid=(G,),
        in_specs=[
            pl.BlockSpec((TM, H), x_idx),
            pl.BlockSpec((1, H, FF), w_idx),
            pl.BlockSpec((1, H, FF), w_idx),
            pl.BlockSpec((1, FF, H), w_idx),
        ],
        out_specs=pl.BlockSpec((TM, H), x_idx),
    )

    y = pl.pallas_call(
        functools.partial(_gmm_kernel, tm=TM),
        grid_spec=grid_spec,
        out_shape=jax.ShapeDtypeStruct((A, H), jnp.float32),
        compiler_params=pltpu.CompilerParams(
            dimension_semantics=("arbitrary",)),
    )(se.reshape(G), st.reshape(G), ns.reshape(1), off.reshape(E),
      cnt.reshape(E), xs, gate_proj.astype(jnp.bfloat16),
      up_proj.astype(jnp.bfloat16), down_proj.astype(jnp.bfloat16))

    out = y[p0f] * w1 + y[p1f] * w2
    return out.reshape(B, S, H), logits

# --- scband reference (transcript-rebuilt; emitter-appended) ---
"""Pipeline reference for scband-linear-qwen3-vlmoe-text-sparse-moe-block-20014547599395 (READ-ONLY COPY).

The authoritative reference and input builder live on the scoring server;
editing this copy changes nothing except your own understanding.
"""

import jax, jax.numpy as jnp
import numpy as np

HIDDEN = 2048
FF = 768
E = 16
TOP_K = 2
BATCH = 1
SEQ = 2048


def setup_inputs(seed: int = 0) -> dict:
    key = jax.random.key(seed)
    ks = jax.random.split(key, 5)
    hidden_states = jax.random.normal(ks[0], (BATCH, SEQ, HIDDEN), dtype=jnp.float32)
    gate_w = jax.random.normal(ks[1], (E, HIDDEN), dtype=jnp.float32) * 0.02
    gate_proj = jax.random.normal(ks[2], (E, HIDDEN, FF), dtype=jnp.float32) * 0.02
    up_proj = jax.random.normal(ks[3], (E, HIDDEN, FF), dtype=jnp.float32) * 0.02
    down_proj = jax.random.normal(ks[4], (E, FF, HIDDEN), dtype=jnp.float32) * 0.02
    return {
        'hidden_states': hidden_states,
        'gate_w': gate_w,
        'gate_proj': gate_proj,
        'up_proj': up_proj,
        'down_proj': down_proj,
    }


def reference(hidden_states, gate_w, gate_proj, up_proj, down_proj):
    B, S, H = hidden_states.shape
    x = hidden_states.reshape(-1, H)
    # router (wrapped gate): linear -> softmax -> top-k -> renormalize
    router_logits = x @ gate_w.T  # [T, E]
    routing_probs = jax.nn.softmax(router_logits.astype(jnp.float32), axis=-1)
    topk_w, topk_idx = jax.lax.top_k(routing_probs, TOP_K)  # [T, K]
    topk_w = topk_w / topk_w.sum(axis=-1, keepdims=True)
    out = jnp.zeros_like(x)
    # sequential per-expert dispatch, matching SequentialQwen3VLMoeTextExperts loop
    for e in range(E):
        w = ((topk_idx == e) * topk_w).sum(axis=-1, keepdims=True)  # [T, 1]
        h = jax.nn.silu(x @ gate_proj[e]) * (x @ up_proj[e])  # Qwen3VLMoeTextMLP
        yi = h @ down_proj[e]
        out = out + yi * w
    return out.reshape(B, S, H), router_logits

if __name__ == "__main__":
    import jax
    _d = setup_inputs()
    print(jax.jit(kernel)(*tuple(_d.values())))

</pallas_src>

<mosaic_0001>
#map = affine_map<(d0, d1) -> (0, 0)>
#map1 = affine_map<(d0, d1) -> (0)>
module attributes {stable_mosaic.version = 14 : i64} {
  func.func @_dispatch_sc(%arg0: i32, %arg1: i32, %arg2: memref<2048x1024xi32, #tpu.memory_space<hbm>>, %arg3: memref<2048xi32, #tpu.memory_space<hbm>>, %arg4: memref<2048xi32, #tpu.memory_space<hbm>>, %arg5: memref<4096x1024xi32, #tpu.memory_space<hbm>>, %arg6: memref<64x1024xi32, #tpu.memory_space<vmem>>, %arg7: memref<64xi32, #tpu.memory_space<vmem>>, %arg8: memref<64xi32, #tpu.memory_space<vmem>>, %arg9: memref<!tpu.dma_semaphore, #tpu.memory_space<semaphore_mem>>) attributes {dimension_semantics = [#tpu.dimension_semantics<core_parallel>, #tpu.dimension_semantics<subcore_parallel>], iteration_bounds = array<i64: 2, 16>, scalar_prefetch = 0 : i64, scratch_operands = 4 : i64, tpu.core_type = #tpu.core_type<sc_vector_subcore>, window_params = [{transform_indices = #map}, {transform_indices = #map1}, {transform_indices = #map1}, {transform_indices = #map}]} {
    %mul3A = arith.constant 2 : i32
    %mul3A_0 = arith.muli %arg1, %mul3A : i32
    %add3A = arith.addi %mul3A_0, %arg0 : i32
    %mul3A_1 = arith.constant 64 : i32
    %mul3A_2 = arith.muli %add3A, %mul3A_1 : i32
    "tpu.region"() ({
      %run_scoped3A = tpu.sem_alloc : memref<!tpu.dma_semaphore, #tpu.memory_space<semaphore_mem>>
      %dma_start3A_13 = arith.constant 0 : i32
      %dma_start3A_14 = tpu.memref_slice %arg2[%mul3A_2, %dma_start3A_13] : memref<2048x1024xi32, #tpu.memory_space<hbm>> -> memref<64x1024xi32, #tpu.memory_space<hbm>>
      %dma_start3A_15 = arith.constant 0 : i32
      %dma_start3A_16 = tpu.memref_slice %arg2[%mul3A_2, %dma_start3A_15] : memref<2048x1024xi32, #tpu.memory_space<hbm>> -> memref<64x1024xi32, #tpu.memory_space<hbm>>
      tpu.enqueue_dma source(%dma_start3A_16 : memref<64x1024xi32, #tpu.memory_space<hbm>>) target(%arg6 : memref<64x1024xi32, #tpu.memory_space<vmem>>) target_semaphore(%run_scoped3A : memref<!tpu.dma_semaphore, #tpu.memory_space<semaphore_mem>>)
      %dma_wait3A_17 = arith.constant 0 : i32
      %dma_wait3A_18 = tpu.memref_slice %arg2[%mul3A_2, %dma_wait3A_17] : memref<2048x1024xi32, #tpu.memory_space<hbm>> -> memref<64x1024xi32, #tpu.memory_space<hbm>>
      %dma_wait3A_19 = arith.constant 0 : i32
      %dma_wait3A_20 = tpu.memref_slice %arg2[%mul3A_2, %dma_wait3A_19] : memref<2048x1024xi32, #tpu.memory_space<hbm>> -> memref<64x1024xi32, #tpu.memory_space<hbm>>
      tpu.wait_dma2 semaphore(%run_scoped3A : memref<!tpu.dma_semaphore, #tpu.memory_space<semaphore_mem>>) src(%dma_wait3A_20 : memref<64x1024xi32, #tpu.memory_space<hbm>>) dst(%arg6 : memref<64x1024xi32, #tpu.memory_space<vmem>>)
      tpu.yield
    }) : () -> ()
    "tpu.region"() ({
      %run_scoped3A = tpu.sem_alloc : memref<!tpu.dma_semaphore, #tpu.memory_space<semaphore_mem>>
      %dma_start3A_13 = tpu.memref_slice %arg3[%mul3A_2] : memref<2048xi32, #tpu.memory_space<hbm>> -> memref<64xi32, #tpu.memory_space<hbm>>
      %dma_start3A_14 = tpu.memref_slice %arg3[%mul3A_2] : memref<2048xi32, #tpu.memory_space<hbm>> -> memref<64xi32, #tpu.memory_space<hbm>>
      tpu.enqueue_dma source(%dma_start3A_14 : memref<64xi32, #tpu.memory_space<hbm>>) target(%arg7 : memref<64xi32, #tpu.memory_space<vmem>>) target_semaphore(%run_scoped3A : memref<!tpu.dma_semaphore, #tpu.memory_space<semaphore_mem>>)
      %dma_wait3A_15 = tpu.memref_slice %arg3[%mul3A_2] : memref<2048xi32, #tpu.memory_space<hbm>> -> memref<64xi32, #tpu.memory_space<hbm>>
      %dma_wait3A_16 = tpu.memref_slice %arg3[%mul3A_2] : memref<2048xi32, #tpu.memory_space<hbm>> -> memref<64xi32, #tpu.memory_space<hbm>>
      tpu.wait_dma2 semaphore(%run_scoped3A : memref<!tpu.dma_semaphore, #tpu.memory_space<semaphore_mem>>) src(%dma_wait3A_16 : memref<64xi32, #tpu.memory_space<hbm>>) dst(%arg7 : memref<64xi32, #tpu.memory_space<vmem>>)
      tpu.yield
    }) : () -> ()
    "tpu.region"() ({
      %run_scoped3A = tpu.sem_alloc : memref<!tpu.dma_semaphore, #tpu.memory_space<semaphore_mem>>
      %dma_start3A_13 = tpu.memref_slice %arg4[%mul3A_2] : memref<2048xi32, #tpu.memory_space<hbm>> -> memref<64xi32, #tpu.memory_space<hbm>>
      %dma_start3A_14 = tpu.memref_slice %arg4[%mul3A_2] : memref<2048xi32, #tpu.memory_space<hbm>> -> memref<64xi32, #tpu.memory_space<hbm>>
      tpu.enqueue_dma source(%dma_start3A_14 : memref<64xi32, #tpu.memory_space<hbm>>) target(%arg8 : memref<64xi32, #tpu.memory_space<vmem>>) target_semaphore(%run_scoped3A : memref<!tpu.dma_semaphore, #tpu.memory_space<semaphore_mem>>)
      %dma_wait3A_15 = tpu.memref_slice %arg4[%mul3A_2] : memref<2048xi32, #tpu.memory_space<hbm>> -> memref<64xi32, #tpu.memory_space<hbm>>
      %dma_wait3A_16 = tpu.memref_slice %arg4[%mul3A_2] : memref<2048xi32, #tpu.memory_space<hbm>> -> memref<64xi32, #tpu.memory_space<hbm>>
      tpu.wait_dma2 semaphore(%run_scoped3A : memref<!tpu.dma_semaphore, #tpu.memory_space<semaphore_mem>>) src(%dma_wait3A_16 : memref<64xi32, #tpu.memory_space<hbm>>) dst(%arg8 : memref<64xi32, #tpu.memory_space<vmem>>)
      tpu.yield
    }) : () -> ()
    %dma_start3A = arith.constant 0 : i32
    %dma_start3A_3 = arith.constant 0 : i32
    %dma_start3A_4 = tpu.memref_slice %arg5[%dma_start3A, %dma_start3A_3] : memref<4096x1024xi32, #tpu.memory_space<hbm>> -> memref<4096x1024xi32, #tpu.memory_space<hbm>>
    tpu.enqueue_indirect_dma source(%arg6 : memref<64x1024xi32, #tpu.memory_space<vmem>>) target(%dma_start3A_4 : memref<4096x1024xi32, #tpu.memory_space<hbm>>) offsets(%arg7 : memref<64xi32, #tpu.memory_space<vmem>>) semaphore(%arg9 : memref<!tpu.dma_semaphore, #tpu.memory_space<semaphore_mem>>)
    %dma_start3A_5 = arith.constant 0 : i32
    %dma_start3A_6 = arith.constant 0 : i32
    %dma_start3A_7 = tpu.memref_slice %arg5[%dma_start3A_5, %dma_start3A_6] : memref<4096x1024xi32, #tpu.memory_space<hbm>> -> memref<4096x1024xi32, #tpu.memory_space<hbm>>
    tpu.enqueue_indirect_dma source(%arg6 : memref<64x1024xi32, #tpu.memory_space<vmem>>) target(%dma_start3A_7 : memref<4096x1024xi32, #tpu.memory_space<hbm>>) offsets(%arg8 : memref<64xi32, #tpu.memory_space<vmem>>) semaphore(%arg9 : memref<!tpu.dma_semaphore, #tpu.memory_space<semaphore_mem>>)
    %dma_wait3A = arith.constant 0 : i32
    %dma_wait3A_8 = arith.constant 0 : i32
    %dma_wait3A_9 = tpu.memref_slice %arg5[%dma_wait3A, %dma_wait3A_8] : memref<4096x1024xi32, #tpu.memory_space<hbm>> -> memref<4096x1024xi32, #tpu.memory_space<hbm>>
    tpu.wait_indirect_dma semaphore(%arg9 : memref<!tpu.dma_semaphore, #tpu.memory_space<semaphore_mem>>) src(%arg6 : memref<64x1024xi32, #tpu.memory_space<vmem>>) dst(%dma_wait3A_9 : memref<4096x1024xi32, #tpu.memory_space<hbm>>)
    %dma_wait3A_10 = arith.constant 0 : i32
    %dma_wait3A_11 = arith.constant 0 : i32
    %dma_wait3A_12 = tpu.memref_slice %arg5[%dma_wait3A_10, %dma_wait3A_11] : memref<4096x1024xi32, #tpu.memory_space<hbm>> -> memref<4096x1024xi32, #tpu.memory_space<hbm>>
    tpu.wait_indirect_dma semaphore(%arg9 : memref<!tpu.dma_semaphore, #tpu.memory_space<semaphore_mem>>) src(%arg6 : memref<64x1024xi32, #tpu.memory_space<vmem>>) dst(%dma_wait3A_12 : memref<4096x1024xi32, #tpu.memory_space<hbm>>)
    return
  }
}

module attributes {stable_mosaic.version = 14 : i64} {
  func.func @_router_kernel(%arg0: memref<2048x2048xf32, #tpu.memory_space<vmem>>, %arg1: memref<2048x16xf32, #tpu.memory_space<vmem>>, %arg2: memref<2048x16xf32, #tpu.memory_space<vmem>>, %arg3: memref<2048x1xi32, #tpu.memory_space<vmem>>, %arg4: memref<2048x1xi32, #tpu.memory_space<vmem>>, %arg5: memref<2048x1xf32, #tpu.memory_space<vmem>>, %arg6: memref<2048x1xf32, #tpu.memory_space<vmem>>, %arg7: memref<2048x2048xbf16, #tpu.memory_space<vmem>>, %arg8: memref<1x16xi32, #tpu.memory_space<vmem>>, %arg9: memref<1x16xi32, #tpu.memory_space<vmem>>, %arg10: memref<32x1xi32, #tpu.memory_space<vmem>>, %arg11: memref<32x1xi32, #tpu.memory_space<vmem>>, %arg12: memref<1x1xi32, #tpu.memory_space<vmem>>) attributes {dimension_semantics = [], scalar_prefetch = 0 : i64, scratch_operands = 0 : i64, tpu.core_type = #tpu.core_type<tc>} {
    %get3A = arith.constant 0 : index
    %get3A_0 = arith.constant 0 : index
    %get3A_1 = vector.load %arg0[%get3A, %get3A_0] : memref<2048x2048xf32, #tpu.memory_space<vmem>>, vector<2048x2048xf32>
    %convert_element_type3A = arith.truncf %get3A_1 : vector<2048x2048xf32> to vector<2048x2048xbf16>
    %swap3A = arith.constant 0 : index
    %swap3A_2 = arith.constant 0 : index
    %swap3A_3 = vector.load %arg7[%swap3A, %swap3A_2] : memref<2048x2048xbf16, #tpu.memory_space<vmem>>, vector<2048x2048xbf16>
    tpu.vector_store %arg7[%swap3A, %swap3A_2], %convert_element_type3A {strides = array<i32>} : memref<2048x2048xbf16, #tpu.memory_space<vmem>>, vector<2048x2048xbf16>,
    %get3A_4 = arith.constant 0 : index
    %get3A_5 = arith.constant 0 : index
    %get3A_6 = vector.load %arg1[%get3A_4, %get3A_5] : memref<2048x16xf32, #tpu.memory_space<vmem>>, vector<2048x16xf32>
    %convert_element_type3A_7 = arith.truncf %get3A_6 : vector<2048x16xf32> to vector<2048x16xbf16>
    %dot_general3A = arith.constant dense<0.000000e+00> : vector<2048x16xf32>
    %dot_general3A_8 = tpu.matmul %convert_element_type3A, %convert_element_type3A_7, %dot_general3A {dimension_numbers = #tpu.dot_dimension_numbers<[1], [0], [0], [1], [0, 0, 1, 1], [], []>, transpose_lhs_hint = false} : vector<2048x2048xbf16>, vector<2048x16xbf16>, vector<2048x16xf32> -> vector<2048x16xf32>
    %swap3A_9 = arith.constant 0 : index
    %swap3A_10 = arith.constant 0 : index
    %swap3A_11 = vector.load %arg2[%swap3A_9, %swap3A_10] : memref<2048x16xf32, #tpu.memory_space<vmem>>, vector<2048x16xf32>
    tpu.vector_store %arg2[%swap3A_9, %swap3A_10], %dot_general3A_8 {strides = array<i32>} : memref<2048x16xf32, #tpu.memory_space<vmem>>, vector<2048x16xf32>,
    %iota3A = tpu.iota {dimensions = array<i32: 1>} : vector<2048x16xi32>
    %reduce_max3A = arith.constant dense<0xFF800000> : vector<2048xf32>
    %reduce_max3A_12 = vector.multi_reduction <maximumf>, %dot_general3A_8, %reduce_max3A [1] : vector<2048x16xf32> to vector<2048xf32>
    %broadcast_in_dim3A = vector.shape_cast %reduce_max3A_12 : vector<2048xf32> to vector<2048x1xf32>
    %eq3A = vector.broadcast %broadcast_in_dim3A : vector<2048x1xf32> to vector<2048x16xf32>
    %eq3A_13 = arith.cmpf oeq, %dot_general3A_8, %eq3A : vector<2048x16xf32>
    %jit3A = arith.constant 16 : i32
    %broadcast_in_dim3A_14 = vector.broadcast %jit3A : i32 to vector<2048x16xi32>
    %select_n3A = arith.select %eq3A_13, %iota3A, %broadcast_in_dim3A_14 : vector<2048x16xi1>, vector<2048x16xi32>
    %reduce_min3A = arith.constant dense<2147483647> : vector<2048xi32>
    %reduce_min3A_15 = vector.multi_reduction <minsi>, %select_n3A, %reduce_min3A [1] : vector<2048x16xi32> to vector<2048xi32>
    %broadcast_in_dim3A_16 = vector.shape_cast %reduce_min3A_15 : vector<2048xi32> to vector<2048x1xi32>
    %eq3A_17 = vector.broadcast %broadcast_in_dim3A_16 : vector<2048x1xi32> to vector<2048x16xi32>
    %eq3A_18 = arith.cmpi eq, %iota3A, %eq3A_17 : vector<2048x16xi32>
    %jit3A_19 = arith.constant 0xFF800000 : f32
    %broadcast_in_dim3A_20 = vector.broadcast %jit3A_19 : f32 to vector<2048x16xf32>
    %select_n3A_21 = arith.select %eq3A_18, %broadcast_in_dim3A_20, %dot_general3A_8 : vector<2048x16xi1>, vector<2048x16xf32>
    %reduce_max3A_22 = arith.constant dense<0xFF800000> : vector<2048xf32>
    %reduce_max3A_23 = vector.multi_reduction <maximumf>, %select_n3A_21, %reduce_max3A_22 [1] : vector<2048x16xf32> to vector<2048xf32>
    %broadcast_in_dim3A_24 = vector.shape_cast %reduce_max3A_23 : vector<2048xf32> to vector<2048x1xf32>
    %eq3A_25 = vector.broadcast %broadcast_in_dim3A_24 : vector<2048x1xf32> to vector<2048x16xf32>
    %eq3A_26 = arith.cmpf oeq, %select_n3A_21, %eq3A_25 : vector<2048x16xf32>
    %jit3A_27 = arith.constant 16 : i32
    %broadcast_in_dim3A_28 = vector.broadcast %jit3A_27 : i32 to vector<2048x16xi32>
    %select_n3A_29 = arith.select %eq3A_26, %iota3A, %broadcast_in_dim3A_28 : vector<2048x16xi1>, vector<2048x16xi32>
    %reduce_min3A_30 = arith.constant dense<2147483647> : vector<2048xi32>
    %reduce_min3A_31 = vector.multi_reduction <minsi>, %select_n3A_29, %reduce_min3A_30 [1] : vector<2048x16xi32> to vector<2048xi32>
    %broadcast_in_dim3A_32 = vector.shape_cast %reduce_min3A_31 : vector<2048xi32> to vector<2048x1xi32>
    %sub3A = arith.subf %broadcast_in_dim3A_24, %broadcast_in_dim3A : vector<2048x1xf32>
    %exp3A = math.exp %sub3A : vector<2048x1xf32>
    %add3A = arith.constant 1.000000e+00 : f32
    %add3A_33 = vector.broadcast %add3A : f32 to vector<2048x1xf32>
    %add3A_34 = arith.addf %add3A_33, %exp3A : vector<2048x1xf32>
    %div3A = arith.constant 1.000000e+00 : f32
    %div3A_35 = vector.broadcast %div3A : f32 to vector<2048x1xf32>
    %div3A_36 = arith.divf %div3A_35, %add3A_34 : vector<2048x1xf32>
    %swap3A_37 = arith.constant 0 : index
    %swap3A_38 = arith.constant 0 : index
    %swap3A_39 = vector.load %arg5[%swap3A_37, %swap3A_38] : memref<2048x1xf32, #tpu.memory_space<vmem>>, vector<2048x1xf32>
    tpu.vector_store %arg5[%swap3A_37, %swap3A_38], %div3A_36 {strides = array<i32>} : memref<2048x1xf32, #tpu.memory_space<vmem>>, vector<2048x1xf32>,
    %add3A_40 = arith.constant 1.000000e+00 : f32
    %add3A_41 = vector.broadcast %add3A_40 : f32 to vector<2048x1xf32>
    %add3A_42 = arith.addf %add3A_41, %exp3A : vector<2048x1xf32>
    %div3A_43 = arith.constant 1.000000e+00 : f32
    %div3A_44 = vector.broadcast %div3A_43 : f32 to vector<2048x1xf32>
    %div3A_45 = arith.divf %div3A_44, %add3A_42 : vector<2048x1xf32>
    %sub3A_46 = arith.constant 1.000000e+00 : f32
    %sub3A_47 = vector.broadcast %sub3A_46 : f32 to vector<2048x1xf32>
    %sub3A_48 = arith.subf %sub3A_47, %div3A_45 : vector<2048x1xf32>
    %swap3A_49 = arith.constant 0 : index
    %swap3A_50 = arith.constant 0 : index
    %swap3A_51 = vector.load %arg6[%swap3A_49, %swap3A_50] : memref<2048x1xf32, #tpu.memory_space<vmem>>, vector<2048x1xf32>
    tpu.vector_store %arg6[%swap3A_49, %swap3A_50], %sub3A_48 {strides = array<i32>} : memref<2048x1xf32, #tpu.memory_space<vmem>>, vector<2048x1xf32>,
    %eq3A_52 = vector.broadcast %broadcast_in_dim3A_16 : vector<2048x1xi32> to vector<2048x16xi32>
    %eq3A_53 = arith.cmpi eq, %iota3A, %eq3A_52 : vector<2048x16xi32>
    %eq3A_54 = vector.broadcast %broadcast_in_dim3A_32 : vector<2048x1xi32> to vector<2048x16xi32>
    %eq3A_55 = arith.cmpi eq, %iota3A, %eq3A_54 : vector<2048x16xi32>
    %or3A = arith.ori %eq3A_53, %eq3A_55 : vector<2048x16xi1>
    %convert_element_type3A_56 = arith.extui %or3A : vector<2048x16xi1> to vector<2048x16xi32>
    %broadcast_in_dim3A_57 = arith.constant 0 : i32
    %broadcast_in_dim3A_58 = vector.broadcast %broadcast_in_dim3A_57 : i32 to vector<1x16xi32>
    %slice3A = vector.extract_strided_slice %convert_element_type3A_56 {offsets = [0, 0], sizes = [2047, 16], strides = [1, 1]} : vector<2048x16xi32> to vector<2047x16xi32>
    %concatenate3A = tpu.concatenate %broadcast_in_dim3A_58, %slice3A in 0 : vector<1x16xi32>, vector<2047x16xi32> -> vector<2048x16xi32>
    %broadcast_in_dim3A_59 = arith.constant 0 : i32
    %broadcast_in_dim3A_60 = vector.broadcast %broadcast_in_dim3A_59 : i32 to vector<1x16xi32>
    %slice3A_61 = vector.extract_strided_slice %concatenate3A {offsets = [0, 0], sizes = [2047, 16], strides = [1, 1]} : vector<2048x16xi32> to vector<2047x16xi32>
    %concatenate3A_62 = tpu.concatenate %broadcast_in_dim3A_60, %slice3A_61 in 0 : vector<1x16xi32>, vector<2047x16xi32> -> vector<2048x16xi32>
    %add3A_63 = arith.addi %concatenate3A, %concatenate3A_62 : vector<2048x16xi32>
    %broadcast_in_dim3A_64 = arith.constant 0 : i32
    %broadcast_in_dim3A_65 = vector.broadcast %broadcast_in_dim3A_64 : i32 to vector<2x16xi32>
    %slice3A_66 = vector.extract_strided_slice %add3A_63 {offsets = [0, 0], sizes = [2046, 16], strides = [1, 1]} : vector<2048x16xi32> to vector<2046x16xi32>
    %concatenate3A_67 = tpu.concatenate %broadcast_in_dim3A_65, %slice3A_66 in 0 : vector<2x16xi32>, vector<2046x16xi32> -> vector<2048x16xi32>
    %add3A_68 = arith.addi %add3A_63, %concatenate3A_67 : vector<2048x16xi32>
    %broadcast_in_dim3A_69 = arith.constant 0 : i32
    %broadcast_in_dim3A_70 = vector.broadcast %broadcast_in_dim3A_69 : i32 to vector<4x16xi32>
    %slice3A_71 = vector.extract_strided_slice %add3A_68 {offsets = [0, 0], sizes = [2044, 16], strides = [1, 1]} : vector<2048x16xi32> to vector<2044x16xi32>
    %concatenate3A_72 = tpu.concatenate %broadcast_in_dim3A_70, %slice3A_71 in 0 : vector<4x16xi32>, vector<2044x16xi32> -> vector<2048x16xi32>
    %add3A_73 = arith.addi %add3A_68, %concatenate3A_72 : vector<2048x16xi32>
    %broadcast_in_dim3A_74 = arith.constant 0 : i32
    %broadcast_in_dim3A_75 = vector.broadcast %broadcast_in_dim3A_74 : i32 to vector<8x16xi32>
    %slice3A_76 = vector.extract_strided_slice %add3A_73 {offsets = [0, 0], sizes = [2040, 16], strides = [1, 1]} : vector<2048x16xi32> to vector<2040x16xi32>
    %concatenate3A_77 = tpu.concatenate %broadcast_in_dim3A_75, %slice3A_76 in 0 : vector<8x16xi32>, vector<2040x16xi32> -> vector<2048x16xi32>
    %add3A_78 = arith.addi %add3A_73, %concatenate3A_77 : vector<2048x16xi32>
    %broadcast_in_dim3A_79 = arith.constant 0 : i32
    %broadcast_in_dim3A_80 = vector.broadcast %broadcast_in_dim3A_79 : i32 to vector<16x16xi32>
    %slice3A_81 = vector.extract_strided_slice %add3A_78 {offsets = [0, 0], sizes = [2032, 16], strides = [1, 1]} : vector<2048x16xi32> to vector<2032x16xi32>
    %concatenate3A_82 = tpu.concatenate %broadcast_in_dim3A_80, %slice3A_81 in 0 : vector<16x16xi32>, vector<2032x16xi32> -> vector<2048x16xi32>
    %add3A_83 = arith.addi %add3A_78, %concatenate3A_82 : vector<2048x16xi32>
    %broadcast_in_dim3A_84 = arith.constant 0 : i32
    %broadcast_in_dim3A_85 = vector.broadcast %broadcast_in_dim3A_84 : i32 to vector<32x16xi32>
    %slice3A_86 = vector.extract_strided_slice %add3A_83 {offsets = [0, 0], sizes = [2016, 16], strides = [1, 1]} : vector<2048x16xi32> to vector<2016x16xi32>
    %concatenate3A_87 = tpu.concatenate %broadcast_in_dim3A_85, %slice3A_86 in 0 : vector<32x16xi32>, vector<2016x16xi32> -> vector<2048x16xi32>
    %add3A_88 = arith.addi %add3A_83, %concatenate3A_87 : vector<2048x16xi32>
    %broadcast_in_dim3A_89 = arith.constant 0 : i32
    %broadcast_in_dim3A_90 = vector.broadcast %broadcast_in_dim3A_89 : i32 to vector<64x16xi32>
    %slice3A_91 = vector.extract_strided_slice %add3A_88 {offsets = [0, 0], sizes = [1984, 16], strides = [1, 1]} : vector<2048x16xi32> to vector<1984x16xi32>
    %concatenate3A_92 = tpu.concatenate %broadcast_in_dim3A_90, %slice3A_91 in 0 : vector<64x16xi32>, vector<1984x16xi32> -> vector<2048x16xi32>
    %add3A_93 = arith.addi %add3A_88, %concatenate3A_92 : vector<2048x16xi32>
    %broadcast_in_dim3A_94 = arith.constant 0 : i32
    %broadcast_in_dim3A_95 = vector.broadcast %broadcast_in_dim3A_94 : i32 to vector<128x16xi32>
    %slice3A_96 = vector.extract_strided_slice %add3A_93 {offsets = [0, 0], sizes = [1920, 16], strides = [1, 1]} : vector<2048x16xi32> to vector<1920x16xi32>
    %concatenate3A_97 = tpu.concatenate %broadcast_in_dim3A_95, %slice3A_96 in 0 : vector<128x16xi32>, vector<1920x16xi32> -> vector<2048x16xi32>
    %add3A_98 = arith.addi %add3A_93, %concatenate3A_97 : vector<2048x16xi32>
    %broadcast_in_dim3A_99 = arith.constant 0 : i32
    %broadcast_in_dim3A_100 = vector.broadcast %broadcast_in_dim3A_99 : i32 to vector<256x16xi32>
    %slice3A_101 = vector.extract_strided_slice %add3A_98 {offsets = [0, 0], sizes = [1792, 16], strides = [1, 1]} : vector<2048x16xi32> to vector<1792x16xi32>
    %concatenate3A_102 = tpu.concatenate %broadcast_in_dim3A_100, %slice3A_101 in 0 : vector<256x16xi32>, vector<1792x16xi32> -> vector<2048x16xi32>
    %add3A_103 = arith.addi %add3A_98, %concatenate3A_102 : vector<2048x16xi32>
    %broadcast_in_dim3A_104 = arith.constant 0 : i32
    %broadcast_in_dim3A_105 = vector.broadcast %broadcast_in_dim3A_104 : i32 to vector<512x16xi32>
    %slice3A_106 = vector.extract_strided_slice %add3A_103 {offsets = [0, 0], sizes = [1536, 16], strides = [1, 1]} : vector<2048x16xi32> to vector<1536x16xi32>
    %concatenate3A_107 = tpu.concatenate %broadcast_in_dim3A_105, %slice3A_106 in 0 : vector<512x16xi32>, vector<1536x16xi32> -> vector<2048x16xi32>
    %add3A_108 = arith.addi %add3A_103, %concatenate3A_107 : vector<2048x16xi32>
    %broadcast_in_dim3A_109 = arith.constant 0 : i32
    %broadcast_in_dim3A_110 = vector.broadcast %broadcast_in_dim3A_109 : i32 to vector<1024x16xi32>
    %slice3A_111 = vector.extract_strided_slice %add3A_108 {offsets = [0, 0], sizes = [1024, 16], strides = [1, 1]} : vector<2048x16xi32> to vector<1024x16xi32>
    %concatenate3A_112 = tpu.concatenate %broadcast_in_dim3A_110, %slice3A_111 in 0 : vector<1024x16xi32>, vector<1024x16xi32> -> vector<2048x16xi32>
    %add3A_113 = arith.addi %add3A_108, %concatenate3A_112 : vector<2048x16xi32>
    %convert_element_type3A_114 = arith.sitofp %add3A_113 : vector<2048x16xi32> to vector<2048x16xf32>
    %reduce_sum3A = arith.constant dense<0> : vector<16xi32>
    %reduce_sum3A_115 = vector.multi_reduction <add>, %convert_element_type3A_56, %reduce_sum3A [0] : vector<2048x16xi32> to vector<16xi32>
    %broadcast_in_dim3A_116 = vector.shape_cast %reduce_sum3A_115 : vector<16xi32> to vector<1x16xi32>
    %convert_element_type3A_117 = arith.sitofp %broadcast_in_dim3A_116 : vector<1x16xi32> to vector<1x16xf32>
    %iota3A_118 = tpu.iota {dimensions = array<i32: 0>} : vector<16x16xi32>
    %iota3A_119 = tpu.iota {dimensions = array<i32: 1>} : vector<16x16xi32>
    %lt3A = arith.cmpi slt, %iota3A_118, %iota3A_119 : vector<16x16xi32>
    %convert_element_type3A_120 = arith.extui %lt3A : vector<16x16xi1> to vector<16x16xi32>
    %convert_element_type3A_121 = arith.sitofp %convert_element_type3A_120 : vector<16x16xi32> to vector<16x16xf32>
    %dot_general3A_122 = arith.constant dense<0.000000e+00> : vector<1x16xf32>
    %dot_general3A_123 = tpu.matmul %convert_element_type3A_117, %convert_element_type3A_121, %dot_general3A_122 {dimension_numbers = #tpu.dot_dimension_numbers<[1], [0], [0], [1], [0, 0, 1, 1], [], []>, precision = #tpu.contract_precision<fp32>, transpose_lhs_hint = false} : vector<1x16xf32>, vector<16x16xf32>, vector<1x16xf32> -> vector<1x16xf32>
    %add3A_124 = vector.broadcast %dot_general3A_123 : vector<1x16xf32> to vector<2048x16xf32>
    %add3A_125 = arith.addf %add3A_124, %convert_element_type3A_114 : vector<2048x16xf32>
    %jit3A_126 = arith.constant 0.000000e+00 : f32
    %broadcast_in_dim3A_127 = vector.broadcast %jit3A_126 : f32 to vector<2048x16xf32>
    %select_n3A_128 = arith.select %eq3A_53, %add3A_125, %broadcast_in_dim3A_127 : vector<2048x16xi1>, vector<2048x16xf32>
    %reduce_sum3A_129 = arith.constant dense<0.000000e+00> : vector<2048xf32>
    %reduce_sum3A_130 = vector.multi_reduction <add>, %select_n3A_128, %reduce_sum3A_129 [1] : vector<2048x16xf32> to vector<2048xf32>
    %broadcast_in_dim3A_131 = vector.shape_cast %reduce_sum3A_130 : vector<2048xf32> to vector<2048x1xf32>
    %convert_element_type3A_132 = arith.fptosi %broadcast_in_dim3A_131 : vector<2048x1xf32> to vector<2048x1xi32>
    %swap3A_133 = arith.constant 0 : index
    %swap3A_134 = arith.constant 0 : index
    %swap3A_135 = vector.load %arg3[%swap3A_133, %swap3A_134] : memref<2048x1xi32, #tpu.memory_space<vmem>>, vector<2048x1xi32>
    tpu.vector_store %arg3[%swap3A_133, %swap3A_134], %convert_element_type3A_132 {strides = array<i32>} : memref<2048x1xi32, #tpu.memory_space<vmem>>, vector<2048x1xi32>,
    %jit3A_136 = arith.constant 0.000000e+00 : f32
    %broadcast_in_dim3A_137 = vector.broadcast %jit3A_136 : f32 to vector<2048x16xf32>
    %select_n3A_138 = arith.select %eq3A_55, %add3A_125, %broadcast_in_dim3A_137 : vector<2048x16xi1>, vector<2048x16xf32>
    %reduce_sum3A_139 = arith.constant dense<0.000000e+00> : vector<2048xf32>
    %reduce_sum3A_140 = vector.multi_reduction <add>, %select_n3A_138, %reduce_sum3A_139 [1] : vector<2048x16xf32> to vector<2048xf32>
    %broadcast_in_dim3A_141 = vector.shape_cast %reduce_sum3A_140 : vector<2048xf32> to vector<2048x1xf32>
    %convert_element_type3A_142 = arith.fptosi %broadcast_in_dim3A_141 : vector<2048x1xf32> to vector<2048x1xi32>
    %swap3A_143 = arith.constant 0 : index
    %swap3A_144 = arith.constant 0 : index
    %swap3A_145 = vector.load %arg4[%swap3A_143, %swap3A_144] : memref<2048x1xi32, #tpu.memory_space<vmem>>, vector<2048x1xi32>
    tpu.vector_store %arg4[%swap3A_143, %swap3A_144], %convert_element_type3A_142 {strides = array<i32>} : memref<2048x1xi32, #tpu.memory_space<vmem>>, vector<2048x1xi32>,
    %convert_element_type3A_146 = arith.fptosi %convert_element_type3A_117 : vector<1x16xf32> to vector<1x16xi32>
    %convert_element_type3A_147 = arith.fptosi %dot_general3A_123 : vector<1x16xf32> to vector<1x16xi32>
    %jit3A_148 = arith.constant 256 : i32
    %div3A_149 = vector.broadcast %jit3A_148 : i32 to vector<1x16xi32>
    %div3A_150 = arith.divsi %convert_element_type3A_147, %div3A_149 : vector<1x16xi32>
    %sign3A = arith.constant 0 : i32
    %sign3A_151 = vector.broadcast %sign3A : i32 to vector<1x16xi32>
    %sign3A_152 = arith.cmpi sgt, %convert_element_type3A_147, %sign3A_151 : vector<1x16xi32>
    %sign3A_153 = arith.extui %sign3A_152 : vector<1x16xi1> to vector<1x16xi32>
    %sign3A_154 = arith.constant 0 : i32
    %sign3A_155 = vector.broadcast %sign3A_154 : i32 to vector<1x16xi32>
    %sign3A_156 = arith.cmpi slt, %convert_element_type3A_147, %sign3A_155 : vector<1x16xi32>
    %sign3A_157 = arith.extui %sign3A_156 : vector<1x16xi1> to vector<1x16xi32>
    %sign3A_158 = arith.subi %sign3A_153, %sign3A_157 : vector<1x16xi32>
    %sign3A_159 = arith.constant 0 : i32
    %sign3A_160 = arith.cmpi sgt, %jit3A_148, %sign3A_159 : i32
    %sign3A_161 = arith.extui %sign3A_160 : i1 to i32
    %sign3A_162 = arith.constant 0 : i32
    %sign3A_163 = arith.cmpi slt, %jit3A_148, %sign3A_162 : i32
    %sign3A_164 = arith.extui %sign3A_163 : i1 to i32
    %sign3A_165 = arith.subi %sign3A_161, %sign3A_164 : i32
    %ne3A = vector.broadcast %sign3A_165 : i32 to vector<1x16xi32>
    %ne3A_166 = arith.cmpi ne, %sign3A_158, %ne3A : vector<1x16xi32>
    %rem3A = vector.broadcast %jit3A_148 : i32 to vector<1x16xi32>
    %rem3A_167 = arith.remsi %convert_element_type3A_147, %rem3A : vector<1x16xi32>
    %ne3A_168 = arith.constant 0 : i32
    %ne3A_169 = vector.broadcast %ne3A_168 : i32 to vector<1x16xi32>
    %ne3A_170 = arith.cmpi ne, %rem3A_167, %ne3A_169 : vector<1x16xi32>
    %and3A = arith.andi %ne3A_166, %ne3A_170 : vector<1x16xi1>
    %sub3A_171 = arith.constant 1 : i32
    %sub3A_172 = vector.broadcast %sub3A_171 : i32 to vector<1x16xi32>
    %sub3A_173 = arith.subi %div3A_150, %sub3A_172 : vector<1x16xi32>
    %select_n3A_174 = arith.select %and3A, %sub3A_173, %div3A_150 : vector<1x16xi1>, vector<1x16xi32>
    %add3A_175 = arith.addi %convert_element_type3A_147, %convert_element_type3A_146 : vector<1x16xi32>
    %sub3A_176 = arith.constant 1 : i32
    %sub3A_177 = vector.broadcast %sub3A_176 : i32 to vector<1x16xi32>
    %sub3A_178 = arith.subi %add3A_175, %sub3A_177 : vector<1x16xi32>
    %gt3A = arith.constant 0 : i32
    %gt3A_179 = vector.broadcast %gt3A : i32 to vector<1x16xi32>
    %gt3A_180 = arith.cmpi sgt, %convert_element_type3A_146, %gt3A_179 : vector<1x16xi32>
    %jit3A_181 = arith.constant 256 : i32
    %div3A_182 = vector.broadcast %jit3A_181 : i32 to vector<1x16xi32>
    %div3A_183 = arith.divsi %sub3A_178, %div3A_182 : vector<1x16xi32>
    %sign3A_184 = arith.constant 0 : i32
    %sign3A_185 = vector.broadcast %sign3A_184 : i32 to vector<1x16xi32>
    %sign3A_186 = arith.cmpi sgt, %sub3A_178, %sign3A_185 : vector<1x16xi32>
    %sign3A_187 = arith.extui %sign3A_186 : vector<1x16xi1> to vector<1x16xi32>
    %sign3A_188 = arith.constant 0 : i32
    %sign3A_189 = vector.broadcast %sign3A_188 : i32 to vector<1x16xi32>
    %sign3A_190 = arith.cmpi slt, %sub3A_178, %sign3A_189 : vector<1x16xi32>
    %sign3A_191 = arith.extui %sign3A_190 : vector<1x16xi1> to vector<1x16xi32>
    %sign3A_192 = arith.subi %sign3A_187, %sign3A_191 : vector<1x16xi32>
    %sign3A_193 = arith.constant 0 : i32
    %sign3A_194 = arith.cmpi sgt, %jit3A_181, %sign3A_193 : i32
    %sign3A_195 = arith.extui %sign3A_194 : i1 to i32
    %sign3A_196 = arith.constant 0 : i32
    %sign3A_197 = arith.cmpi slt, %jit3A_181, %sign3A_196 : i32
    %sign3A_198 = arith.extui %sign3A_197 : i1 to i32
    %sign3A_199 = arith.subi %sign3A_195, %sign3A_198 : i32
    %ne3A_200 = vector.broadcast %sign3A_199 : i32 to vector<1x16xi32>
    %ne3A_201 = arith.cmpi ne, %sign3A_192, %ne3A_200 : vector<1x16xi32>
    %rem3A_202 = vector.broadcast %jit3A_181 : i32 to vector<1x16xi32>
    %rem3A_203 = arith.remsi %sub3A_178, %rem3A_202 : vector<1x16xi32>
    %ne3A_204 = arith.constant 0 : i32
    %ne3A_205 = vector.broadcast %ne3A_204 : i32 to vector<1x16xi32>
    %ne3A_206 = arith.cmpi ne, %rem3A_203, %ne3A_205 : vector<1x16xi32>
    %and3A_207 = arith.andi %ne3A_201, %ne3A_206 : vector<1x16xi1>
    %sub3A_208 = arith.constant 1 : i32
    %sub3A_209 = vector.broadcast %sub3A_208 : i32 to vector<1x16xi32>
    %sub3A_210 = arith.subi %div3A_183, %sub3A_209 : vector<1x16xi32>
    %select_n3A_211 = arith.select %and3A_207, %sub3A_210, %div3A_183 : vector<1x16xi1>, vector<1x16xi32>
    %sub3A_212 = arith.subi %select_n3A_211, %select_n3A_174 : vector<1x16xi32>
    %add3A_213 = arith.constant 1 : i32
    %add3A_214 = vector.broadcast %add3A_213 : i32 to vector<1x16xi32>
    %add3A_215 = arith.addi %sub3A_212, %add3A_214 : vector<1x16xi32>
    %jit3A_216 = arith.constant 0 : i32
    %broadcast_in_dim3A_217 = vector.broadcast %jit3A_216 : i32 to vector<1x16xi32>
    %select_n3A_218 = arith.select %gt3A_180, %add3A_215, %broadcast_in_dim3A_217 : vector<1x16xi1>, vector<1x16xi32>
    %swap3A_219 = arith.constant 0 : index
    %swap3A_220 = arith.constant 0 : index
    %swap3A_221 = vector.load %arg8[%swap3A_219, %swap3A_220] : memref<1x16xi32, #tpu.memory_space<vmem>>, vector<1x16xi32>
    tpu.vector_store %arg8[%swap3A_219, %swap3A_220], %convert_element_type3A_146 {strides = array<i32>} : memref<1x16xi32, #tpu.memory_space<vmem>>, vector<1x16xi32>,
    %swap3A_222 = arith.constant 0 : index
    %swap3A_223 = arith.constant 0 : index
    %swap3A_224 = vector.load %arg9[%swap3A_222, %swap3A_223] : memref<1x16xi32, #tpu.memory_space<vmem>>, vector<1x16xi32>
    tpu.vector_store %arg9[%swap3A_222, %swap3A_223], %convert_element_type3A_147 {strides = array<i32>} : memref<1x16xi32, #tpu.memory_space<vmem>>, vector<1x16xi32>,
    %convert_element_type3A_225 = arith.sitofp %select_n3A_218 : vector<1x16xi32> to vector<1x16xf32>
    %dot_general3A_226 = arith.constant dense<0.000000e+00> : vector<1x16xf32>
    %dot_general3A_227 = tpu.matmul %convert_element_type3A_225, %convert_element_type3A_121, %dot_general3A_226 {dimension_numbers = #tpu.dot_dimension_numbers<[1], [0], [0], [1], [0, 0, 1, 1], [], []>, precision = #tpu.contract_precision<fp32>, transpose_lhs_hint = false} : vector<1x16xf32>, vector<16x16xf32>, vector<1x16xf32> -> vector<1x16xf32>
    %reduce_sum3A_228 = arith.constant dense<0> : vector<1xi32>
    %reduce_sum3A_229 = vector.multi_reduction <add>, %select_n3A_218, %reduce_sum3A_228 [1] : vector<1x16xi32> to vector<1xi32>
    %broadcast_in_dim3A_230 = vector.shape_cast %reduce_sum3A_229 : vector<1xi32> to vector<1x1xi32>
    %swap3A_231 = arith.constant 0 : index
    %swap3A_232 = arith.constant 0 : index
    %swap3A_233 = vector.load %arg12[%swap3A_231, %swap3A_232] : memref<1x1xi32, #tpu.memory_space<vmem>>, vector<1x1xi32>
    tpu.vector_store %arg12[%swap3A_231, %swap3A_232], %broadcast_in_dim3A_230 {strides = array<i32>} : memref<1x1xi32, #tpu.memory_space<vmem>>, vector<1x1xi32>,
    %iota3A_234 = tpu.iota {dimensions = array<i32: 0>} : vector<32x16xi32>
    %iota3A_235 = tpu.iota {dimensions = array<i32: 1>} : vector<32x16xi32>
    %convert_element_type3A_236 = arith.fptosi %dot_general3A_227 : vector<1x16xf32> to vector<1x16xi32>
    %broadcast_in_dim3A_237 = vector.shape_cast %convert_element_type3A_236 : vector<1x16xi32> to vector<1x16xi32>
    %broadcast_in_dim3A_238 = vector.broadcast %broadcast_in_dim3A_237 : vector<1x16xi32> to vector<32x16xi32>
    %le3A = arith.cmpi sle, %broadcast_in_dim3A_238, %iota3A_234 : vector<32x16xi32>
    %convert_element_type3A_239 = arith.extui %le3A : vector<32x16xi1> to vector<32x16xi32>
    %reduce_sum3A_240 = arith.constant dense<0> : vector<32xi32>
    %reduce_sum3A_241 = vector.multi_reduction <add>, %convert_element_type3A_239, %reduce_sum3A_240 [1] : vector<32x16xi32> to vector<32xi32>
    %broadcast_in_dim3A_242 = vector.shape_cast %reduce_sum3A_241 : vector<32xi32> to vector<32x1xi32>
    %sub3A_243 = arith.constant 1 : i32
    %sub3A_244 = vector.broadcast %sub3A_243 : i32 to vector<32x1xi32>
    %sub3A_245 = arith.subi %broadcast_in_dim3A_242, %sub3A_244 : vector<32x1xi32>
    %eq3A_246 = vector.broadcast %sub3A_245 : vector<32x1xi32> to vector<32x16xi32>
    %eq3A_247 = arith.cmpi eq, %iota3A_235, %eq3A_246 : vector<32x16xi32>
    %broadcast_in_dim3A_248 = vector.shape_cast %select_n3A_174 : vector<1x16xi32> to vector<1x16xi32>
    %broadcast_in_dim3A_249 = vector.broadcast %broadcast_in_dim3A_248 : vector<1x16xi32> to vector<32x16xi32>
    %convert_element_type3A_250 = arith.fptosi %dot_general3A_227 : vector<1x16xf32> to vector<1x16xi32>
    %broadcast_in_dim3A_251 = vector.shape_cast %convert_element_type3A_250 : vector<1x16xi32> to vector<1x16xi32>
    %broadcast_in_dim3A_252 = vector.broadcast %broadcast_in_dim3A_251 : vector<1x16xi32> to vector<32x16xi32>
    %jit3A_253 = arith.constant 0 : i32
    %broadcast_in_dim3A_254 = vector.broadcast %jit3A_253 : i32 to vector<32x16xi32>
    %select_n3A_255 = arith.select %eq3A_247, %broadcast_in_dim3A_249, %broadcast_in_dim3A_254 : vector<32x16xi1>, vector<32x16xi32>
    %reduce_sum3A_256 = arith.constant dense<0> : vector<32xi32>
    %reduce_sum3A_257 = vector.multi_reduction <add>, %select_n3A_255, %reduce_sum3A_256 [1] : vector<32x16xi32> to vector<32xi32>
    %broadcast_in_dim3A_258 = vector.shape_cast %reduce_sum3A_257 : vector<32xi32> to vector<32x1xi32>
    %jit3A_259 = arith.constant 0 : i32
    %broadcast_in_dim3A_260 = vector.broadcast %jit3A_259 : i32 to vector<32x16xi32>
    %select_n3A_261 = arith.select %eq3A_247, %broadcast_in_dim3A_252, %broadcast_in_dim3A_260 : vector<32x16xi1>, vector<32x16xi32>
    %reduce_sum3A_262 = arith.constant dense<0> : vector<32xi32>
    %reduce_sum3A_263 = vector.multi_reduction <add>, %select_n3A_261, %reduce_sum3A_262 [1] : vector<32x16xi32> to vector<32xi32>
    %broadcast_in_dim3A_264 = vector.shape_cast %reduce_sum3A_263 : vector<32xi32> to vector<32x1xi32>
    %iota3A_265 = tpu.iota {dimensions = array<i32: 0>} : vector<32x1xi32>
    %add3A_266 = arith.addi %broadcast_in_dim3A_258, %iota3A_265 : vector<32x1xi32>
    %sub3A_267 = arith.subi %add3A_266, %broadcast_in_dim3A_264 : vector<32x1xi32>
    %jit3A_268 = arith.constant 0 : i32
    %jit3A_269 = arith.constant 15 : i32
    %max3A = vector.broadcast %jit3A_268 : i32 to vector<32x1xi32>
    %max3A_270 = arith.maxsi %max3A, %sub3A_267 : vector<32x1xi32>
    %min3A = vector.broadcast %jit3A_269 : i32 to vector<32x1xi32>
    %min3A_271 = arith.minsi %min3A, %max3A_270 : vector<32x1xi32>
    %swap3A_272 = arith.constant 0 : index
    %swap3A_273 = arith.constant 0 : index
    %swap3A_274 = vector.load %arg10[%swap3A_272, %swap3A_273] : memref<32x1xi32, #tpu.memory_space<vmem>>, vector<32x1xi32>
    tpu.vector_store %arg10[%swap3A_272, %swap3A_273], %sub3A_245 {strides = array<i32>} : memref<32x1xi32, #tpu.memory_space<vmem>>, vector<32x1xi32>,
    %swap3A_275 = arith.constant 0 : index
    %swap3A_276 = arith.constant 0 : index
    %swap3A_277 = vector.load %arg11[%swap3A_275, %swap3A_276] : memref<32x1xi32, #tpu.memory_space<vmem>>, vector<32x1xi32>
    tpu.vector_store %arg11[%swap3A_275, %swap3A_276], %min3A_271 {strides = array<i32>} : memref<32x1xi32, #tpu.memory_space<vmem>>, vector<32x1xi32>,
    return
  }
}

module attributes {stable_mosaic.version = 14 : i64} {
  func.func @_gmm_kernel(%arg0: i32, %arg1: memref<32xi32, #tpu.memory_space<smem>>, %arg2: memref<32xi32, #tpu.memory_space<smem>>, %arg3: memref<1xi32, #tpu.memory_space<smem>>, %arg4: memref<16xi32, #tpu.memory_space<smem>>, %arg5: memref<16xi32, #tpu.memory_space<smem>>, %arg6: memref<256x2048xbf16, #tpu.memory_space<vmem>>, %arg7: memref<1x2048x768xbf16, #tpu.memory_space<vmem>>, %arg8: memref<1x2048x768xbf16, #tpu.memory_space<vmem>>, %arg9: memref<1x768x2048xbf16, #tpu.memory_space<vmem>>, %arg10: memref<256x2048xf32, #tpu.memory_space<vmem>>) attributes {dimension_semantics = [#tpu.dimension_semantics<arbitrary>], iteration_bounds = array<i64: 32>, scalar_prefetch = 5 : i64, scratch_operands = 0 : i64, tpu.core_type = #tpu.core_type<tc>, window_params = [{transform_indices = @transform_0, window_bounds = array<i64: 256, 2048>}, {transform_indices = @transform_1, window_bounds = array<i64: 1, 2048, 768>}, {transform_indices = @transform_2, window_bounds = array<i64: 1, 2048, 768>}, {transform_indices = @transform_3, window_bounds = array<i64: 1, 768, 2048>}, {transform_indices = @transform_4, window_bounds = array<i64: 256, 2048>}]} {
    %get3A = arith.constant 0 : index
    %get3A_0 = memref.load %arg3[%get3A] : memref<1xi32, #tpu.memory_space<smem>>
    %lt3A = arith.cmpi slt, %arg0, %get3A_0 : i32
    %convert_element_type3A = arith.extui %lt3A : i1 to i32
    %cond3A = arith.constant 0 : i32
    %cond3A_1 = arith.cmpi ne, %convert_element_type3A, %cond3A : i32
    scf.if %cond3A_1 {
      %get3A_2 = arith.index_cast %arg0 : i32 to index
      %get3A_3 = memref.load %arg1[%get3A_2] : memref<32xi32, #tpu.memory_space<smem>>
      %get3A_4 = arith.index_cast %arg0 : i32 to index
      %get3A_5 = memref.load %arg2[%get3A_4] : memref<32xi32, #tpu.memory_space<smem>>
      %mul3A = arith.constant 256 : i32
      %mul3A_6 = arith.muli %get3A_5, %mul3A : i32
      %get3A_7 = arith.index_cast %get3A_3 : i32 to index
      %get3A_8 = memref.load %arg4[%get3A_7] : memref<16xi32, #tpu.memory_space<smem>>
      %get3A_9 = arith.index_cast %get3A_3 : i32 to index
      %get3A_10 = memref.load %arg5[%get3A_9] : memref<16xi32, #tpu.memory_space<smem>>
      %iota3A = tpu.iota {dimensions = array<i32: 0>} : vector<256x1xi32>
      %add3A = vector.broadcast %mul3A_6 : i32 to vector<256x1xi32>
      %add3A_11 = arith.addi %add3A, %iota3A : vector<256x1xi32>
      %ge3A = vector.broadcast %get3A_8 : i32 to vector<256x1xi32>
      %ge3A_12 = arith.cmpi sge, %add3A_11, %ge3A : vector<256x1xi32>
      %add3A_13 = arith.addi %get3A_8, %get3A_10 : i32
      %lt3A_14 = vector.broadcast %add3A_13 : i32 to vector<256x1xi32>
      %lt3A_15 = arith.cmpi slt, %add3A_11, %lt3A_14 : vector<256x1xi32>
      %and3A = arith.andi %ge3A_12, %lt3A_15 : vector<256x1xi1>
      %get3A_16 = arith.constant 0 : index
      %get3A_17 = arith.constant 0 : index
      %get3A_18 = vector.load %arg6[%get3A_16, %get3A_17] : memref<256x2048xbf16, #tpu.memory_space<vmem>>, vector<256x2048xbf16>
      %get3A_19 = arith.constant 0 : index
      %get3A_20 = arith.constant 0 : index
      %get3A_21 = arith.constant 0 : index
      %get3A_22 = vector.load %arg7[%get3A_19, %get3A_20, %get3A_21] : memref<1x2048x768xbf16, #tpu.memory_space<vmem>>, vector<1x2048x768xbf16>
      %get3A_23 = vector.shape_cast %get3A_22 : vector<1x2048x768xbf16> to vector<2048x768xbf16>
      %dot_general3A = arith.constant dense<0.000000e+00> : vector<256x768xf32>
      %dot_general3A_24 = tpu.matmul %get3A_18, %get3A_23, %dot_general3A {dimension_numbers = #tpu.dot_dimension_numbers<[1], [0], [0], [1], [0, 0, 1, 1], [], []>, transpose_lhs_hint = false} : vector<256x2048xbf16>, vector<2048x768xbf16>, vector<256x768xf32> -> vector<256x768xf32>
      %get3A_25 = arith.constant 0 : index
      %get3A_26 = arith.constant 0 : index
      %get3A_27 = arith.constant 0 : index
      %get3A_28 = vector.load %arg8[%get3A_25, %get3A_26, %get3A_27] : memref<1x2048x768xbf16, #tpu.memory_space<vmem>>, vector<1x2048x768xbf16>
      %get3A_29 = vector.shape_cast %get3A_28 : vector<1x2048x768xbf16> to vector<2048x768xbf16>
      %dot_general3A_30 = arith.constant dense<0.000000e+00> : vector<256x768xf32>
      %dot_general3A_31 = tpu.matmul %get3A_18, %get3A_29, %dot_general3A_30 {dimension_numbers = #tpu.dot_dimension_numbers<[1], [0], [0], [1], [0, 0, 1, 1], [], []>, transpose_lhs_hint = false} : vector<256x2048xbf16>, vector<2048x768xbf16>, vector<256x768xf32> -> vector<256x768xf32>
      %logistic3A = arith.negf %dot_general3A_24 : vector<256x768xf32>
      %logistic3A_32 = math.exp %logistic3A : vector<256x768xf32>
      %logistic3A_33 = arith.constant 1.000000e+00 : f32
      %logistic3A_34 = vector.broadcast %logistic3A_33 : f32 to vector<256x768xf32>
      %logistic3A_35 = arith.addf %logistic3A_34, %logistic3A_32 : vector<256x768xf32>
      %logistic3A_36 = arith.divf %logistic3A_34, %logistic3A_35 : vector<256x768xf32>
      %mul3A_37 = arith.mulf %dot_general3A_24, %logistic3A_36 : vector<256x768xf32>
      %mul3A_38 = arith.mulf %mul3A_37, %dot_general3A_31 : vector<256x768xf32>
      %convert_element_type3A_39 = arith.truncf %mul3A_38 : vector<256x768xf32> to vector<256x768xbf16>
      %get3A_40 = arith.constant 0 : index
      %get3A_41 = arith.constant 0 : index
      %get3A_42 = arith.constant 0 : index
      %get3A_43 = vector.load %arg9[%get3A_40, %get3A_41, %get3A_42] : memref<1x768x2048xbf16, #tpu.memory_space<vmem>>, vector<1x768x2048xbf16>
      %get3A_44 = vector.shape_cast %get3A_43 : vector<1x768x2048xbf16> to vector<768x2048xbf16>
      %dot_general3A_45 = arith.constant dense<0.000000e+00> : vector<256x2048xf32>
      %dot_general3A_46 = tpu.matmul %convert_element_type3A_39, %get3A_44, %dot_general3A_45 {dimension_numbers = #tpu.dot_dimension_numbers<[1], [0], [0], [1], [0, 0, 1, 1], [], []>, transpose_lhs_hint = false} : vector<256x768xbf16>, vector<768x2048xbf16>, vector<256x2048xf32> -> vector<256x2048xf32>
      %le3A = arith.cmpi sle, %get3A_8, %mul3A_6 : i32
      %broadcast_in_dim3A = arith.constant 0.000000e+00 : f32
      %broadcast_in_dim3A_47 = vector.broadcast %broadcast_in_dim3A : f32 to vector<256x2048xf32>
      %get3A_48 = arith.constant 0 : index
      %get3A_49 = arith.constant 0 : index
      %get3A_50 = vector.load %arg10[%get3A_48, %get3A_49] : memref<256x2048xf32, #tpu.memory_space<vmem>>, vector<256x2048xf32>
      %select_n3A = arith.select %le3A, %broadcast_in_dim3A_47, %get3A_50 : vector<256x2048xf32>
      %broadcast_in_dim3A_51 = vector.shape_cast %and3A : vector<256x1xi1> to vector<256x1xi1>
      %broadcast_in_dim3A_52 = vector.broadcast %broadcast_in_dim3A_51 : vector<256x1xi1> to vector<256x2048xi1>
      %select_n3A_53 = arith.select %broadcast_in_dim3A_52, %dot_general3A_46, %select_n3A : vector<256x2048xi1>, vector<256x2048xf32>
      %swap3A = arith.constant 0 : index
      %swap3A_54 = arith.constant 0 : index
      %swap3A_55 = vector.load %arg10[%swap3A, %swap3A_54] : memref<256x2048xf32, #tpu.memory_space<vmem>>, vector<256x2048xf32>
      tpu.vector_store %arg10[%swap3A, %swap3A_54], %select_n3A_53 {strides = array<i32>} : memref<256x2048xf32, #tpu.memory_space<vmem>>, vector<256x2048xf32>,
    } else {
    }
    return
  }
  func.func @transform_0(%arg0: i32, %arg1: memref<32xi32, #tpu.memory_space<smem>>, %arg2: memref<32xi32, #tpu.memory_space<smem>>, %arg3: memref<1xi32, #tpu.memory_space<smem>>, %arg4: memref<16xi32, #tpu.memory_space<smem>>, %arg5: memref<16xi32, #tpu.memory_space<smem>>) -> (i32, i32) {
    %get3A = arith.index_cast %arg0 : i32 to index
    %get3A_0 = memref.load %arg2[%get3A] : memref<32xi32, #tpu.memory_space<smem>>
    %c0_i32 = arith.constant 0 : i32
    %c0_i32_1 = arith.constant 0 : i32
    return %get3A_0, %c0_i32 : i32, i32
  }
  func.func @transform_1(%arg0: i32, %arg1: memref<32xi32, #tpu.memory_space<smem>>, %arg2: memref<32xi32, #tpu.memory_space<smem>>, %arg3: memref<1xi32, #tpu.memory_space<smem>>, %arg4: memref<16xi32, #tpu.memory_space<smem>>, %arg5: memref<16xi32, #tpu.memory_space<smem>>) -> (i32, i32, i32) {
    %get3A = arith.index_cast %arg0 : i32 to index
    %get3A_0 = memref.load %arg1[%get3A] : memref<32xi32, #tpu.memory_space<smem>>
    %c0_i32 = arith.constant 0 : i32
    %c0_i32_1 = arith.constant 0 : i32
    %c0_i32_2 = arith.constant 0 : i32
    return %get3A_0, %c0_i32, %c0_i32_1 : i32, i32, i32
  }
  func.func @transform_2(%arg0: i32, %arg1: memref<32xi32, #tpu.memory_space<smem>>, %arg2: memref<32xi32, #tpu.memory_space<smem>>, %arg3: memref<1xi32, #tpu.memory_space<smem>>, %arg4: memref<16xi32, #tpu.memory_space<smem>>, %arg5: memref<16xi32, #tpu.memory_space<smem>>) -> (i32, i32, i32) {
    %get3A = arith.index_cast %arg0 : i32 to index
    %get3A_0 = memref.load %arg1[%get3A] : memref<32xi32, #tpu.memory_space<smem>>
    %c0_i32 = arith.constant 0 : i32
    %c0_i32_1 = arith.constant 0 : i32
    %c0_i32_2 = arith.constant 0 : i32
    return %get3A_0, %c0_i32, %c0_i32_1 : i32, i32, i32
  }
  func.func @transform_3(%arg0: i32, %arg1: memref<32xi32, #tpu.memory_space<smem>>, %arg2: memref<32xi32, #tpu.memory_space<smem>>, %arg3: memref<1xi32, #tpu.memory_space<smem>>, %arg4: memref<16xi32, #tpu.memory_space<smem>>, %arg5: memref<16xi32, #tpu.memory_space<smem>>) -> (i32, i32, i32) {
    %get3A = arith.index_cast %arg0 : i32 to index
    %get3A_0 = memref.load %arg1[%get3A] : memref<32xi32, #tpu.memory_space<smem>>
    %c0_i32 = arith.constant 0 : i32
    %c0_i32_1 = arith.constant 0 : i32
    %c0_i32_2 = arith.constant 0 : i32
    return %get3A_0, %c0_i32, %c0_i32_1 : i32, i32, i32
  }
  func.func @transform_4(%arg0: i32, %arg1: memref<32xi32, #tpu.memory_space<smem>>, %arg2: memref<32xi32, #tpu.memory_space<smem>>, %arg3: memref<1xi32, #tpu.memory_space<smem>>, %arg4: memref<16xi32, #tpu.memory_space<smem>>, %arg5: memref<16xi32, #tpu.memory_space<smem>>) -> (i32, i32) {
    %get3A = arith.index_cast %arg0 : i32 to index
    %get3A_0 = memref.load %arg2[%get3A] : memref<32xi32, #tpu.memory_space<smem>>
    %c0_i32 = arith.constant 0 : i32
    %c0_i32_1 = arith.constant 0 : i32
    return %get3A_0, %c0_i32 : i32, i32
  }
}

</mosaic_0001>

<sc_bundles>
// kernel: gather_offload_async_start.1
scs
__scs_entry_jumppad:
0x0: {  	(pc) =	sbr.rel $0x88, $3  }
0x1: {  	(tag) =	ssettag $0x0;
	lr =	simm.s32 $0x1  }
0x2: {  	[smem:$0x3F9C] =	sst lr;
	_ =	strace $0xD0000000  }
0x3: {  	_ = 	snop  }
0x4: {  	_ = 	snop  }
0x5: {  	_ = 	snop  }
0x6: {  	_ = 	snop  }
0x7: {  	_ = 	snop  }
__scs_overlays_trampoline_lowered:
0x8: {  	[smem:$0x3FAB] =	sst s0  }
0x9: {  	[smem:$0x3FAC] =	sst s1  }
0xa: {  	[smem:$0x3FAD] =	sst s2  }
0xb: {  	[smem:$0x3FAE] =	sst s3  }
0xc: {  	[smem:$0x3FAF] =	sst s4  }
0xd: {  	[smem:$0x3FB0] =	sst s5  }
0xe: {  	[smem:$0x3FB1] =	sst s6  }
0xf: {  	[smem:$0x3FB2] =	sst s7  }
0x10: {  	[smem:$0x3FB3] =	sst s8  }
0x11: {  	[smem:$0x3FB4] =	sst s9;
	s0 =	simm.s32 @!p0 $0x0  }
0x12: {  	s1 =	sld [smem:$0x3F9A];
	s0 =	simm.s32 @p0 $0x1  }
0x13: {  	[smem:$0x3FB5] =	sst s0;
	s0 =	simm.s32 @!p1 $0x0  }
0x14: {  	s2 =	sld [smem:$0x3F99];
	s0 =	simm.s32 @p1 $0x1  }
0x15: {  	[smem:$0x3FB6] =	sst s0;
	s0 =	simm.s32 @!p2 $0x0  }
0x16: {  	s3 =	sld [smem:$0x3FDB];
	s0 =	simm.s32 @p2 $0x1  }
0x17: {  	s4 =	simm.s32 $0x1BF5;
	[smem:$0x3FB8] =	sst s0  }
0x18: {  	s0 =	sld [smem:$0x3F9B];
	_ =	swait.ge [sflag:s4], $0x0  }
0x19: {  	s7 =	sld [smem:$0x3F9C]  }
0x1a: {  	s8 =	sadd.s32 $0xFFFFE003, lr  }
0x1b: {  	s9 =	sadd.s32 $0xFFFFFEF7, lr;
	s5 =	simm.s32 $0xFFFFFFFF;
	p2 =	slt.u32 s8, $0xFFFFF086  }
0x1c: {  	p1 =	slt.u32 s9, $0xF7A;
	s5 =	simm.s32 @!p2 $0x0  }
0x1d: {  	s5 =	simm.s32 @p1 $0x1;
	p0 =	seq.s32 s7, s2  }
0x1e: {  	s7 =	smul.u32 @!p0 $0xF7A, s2;
	p2 =	seq.s32 @!p0 s5, $0x0  }
0x1f: {  	s9 =	smul.u32 $0xF7A, s1;
	s8 =	simm.s32 @!p0 $0x1BF5;
	p2 =	por !p2, p0  }
0x20: {  	[sflag:s8] =	ssyncset.s32 @!p0 $0xFFFFF086;
	s6 =	sadd.s32 @!p0 s3, s7;
	s7 =	simm.s32 @!p0 $0x108  }
0x21: {  	s3 =	sadd.s32 s3, s9;
	s6 =	sadd.s32 @!p0 $0x88, s6;
	s7 =	simm.s32 @p2 $0x1082  }
0x22: {  	[simem:s7], [sflag:s8] =	dma.local @!p0 [hbm:s6], $0xF7A  }
0x23: {  	s9 =	sor.u32 $0xD0000000, s2;
	s6 =	simm.s32 $0x108;
	_ =	swait.ge @!p0 [sflag:s8], $0x0  }
0x24: {  	s3 =	sadd.s32 $0x88, s3;
	s6 =	simm.s32 @!p1 $0x1082;
	[sflag:s4] =	ssyncset.s32 $0xFFFFF086  }
0x25: {  	[simem:s6], [sflag:s4] =	dma.local [hbm:s3], $0xF7A  }
0x26: {  	[smem:$0x3F9C] =	sst s1;
	(tag) =	ssettag s2;
	_ =	strace s9  }
0x27: {  	s1 =	sld [smem:$0x3FAC]  }
0x28: {  	s2 =	sld [smem:$0x3FAD]  }
0x29: {  	s4 =	sld [smem:$0x3FAF]  }
0x2a: {  	p0 =	seq.s32 s5, $0x0;
	s5 =	sld [smem:$0x3FB0]  }
0x2b: {  	s6 =	sld [smem:$0x3FB1]  }
0x2c: {  	s7 =	sld [smem:$0x3FB2]  }
0x2d: {  	s3 =	simm.s32 $0x108;
	s8 =	sld [smem:$0x3FB3]  }
0x2e: {  	s3 =	simm.s32 @!p0 $0x1082;
	s9 =	sld [smem:$0x3FB4]  }
0x2f: {  	lr =	sadd.s32 s0, s3;
	s0 =	sld [smem:$0x3FAB]  }
0x30: {  	s3 =	sld [smem:$0x3FAE]  }
0x31: {  	[smem:$0x3FB7] =	sst s10  }
0x32: {  	s10 =	sld [smem:$0x3FB5];
	_ =	sdelay $0x3  }
0x33: {  	p0 =	seq.s32 s10, $0x1;
	s10 =	sld [smem:$0x3FB7];
	_ =	sdelay $0x3  }
0x34: {  	[smem:$0x3FB7] =	sst s10  }
0x35: {  	s10 =	sld [smem:$0x3FB6];
	_ =	sdelay $0x3  }
0x36: {  	p1 =	seq.s32 s10, $0x1;
	s10 =	sld [smem:$0x3FB7];
	_ =	sdelay $0x3  }
0x37: {  	[smem:$0x3FB7] =	sst s10  }
0x38: {  	s10 =	sld [smem:$0x3FB8]  }
0x39: {  	_ = 	snop;
	(pc) =	sbr.ind lr, $3  }
0x3a: {  	_ = 	snop  }
0x3b: {  	_ = 	snop  }
0x3c: {  	p2 =	seq.s32 s10, $0x1;
	s10 =	sld [smem:$0x3FB7]  }
0x3d: {  	_ =	shalt  }
0x3e: {  	_ =	shalt  }
0x3f: {  	_ =	shalt  }
0x40: {  	_ =	shalt  }
0x41: {  	_ =	shalt  }
0x42: {  	_ =	shalt  }
0x43: {  	_ =	shalt  }
0x44: {  	_ =	shalt  }
0x45: {  	_ =	shalt  }
0x46: {  	_ =	shalt  }
0x47: {  	_ =	shalt  }
0x48: {  	_ =	shalt  }
0x49: {  	_ =	shalt  }
0x4a: {  	_ =	shalt  }
0x4b: {  	_ =	shalt  }
0x4c: {  	_ =	shalt  }
0x4d: {  	_ =	shalt  }
0x4e: {  	_ =	shalt  }
0x4f: {  	_ =	shalt  }
0x50: {  	_ =	shalt  }
0x51: {  	_ =	shalt  }
0x52: {  	_ =	shalt  }
0x53: {  	_ =	shalt  }
0x54: {  	_ =	shalt  }
0x55: {  	_ =	shalt  }
0x56: {  	_ =	shalt  }
0x57: {  	_ =	shalt  }
0x58: {  	_ =	shalt  }
0x59: {  	_ =	shalt  }
0x5a: {  	_ =	shalt  }
0x5b: {  	_ =	shalt  }
0x5c: {  	_ =	shalt  }
0x5d: {  	_ =	shalt  }
0x5e: {  	_ =	shalt  }
0x5f: {  	_ =	shalt  }
0x60: {  	_ =	shalt  }
0x61: {  	_ =	shalt  }
0x62: {  	_ =	shalt  }
0x63: {  	_ =	shalt  }
0x64: {  	_ =	shalt  }
0x65: {  	_ =	shalt  }
0x66: {  	_ =	shalt  }
0x67: {  	_ =	shalt  }
0x68: {  	_ =	shalt  }
0x69: {  	_ =	shalt  }
0x6a: {  	_ =	shalt  }
0x6b: {  	_ =	shalt  }
0x6c: {  	_ =	shalt  }
0x6d: {  	_ =	shalt  }
0x6e: {  	_ =	shalt  }
0x6f: {  	_ =	shalt  }
0x70: {  	_ =	shalt  }
0x71: {  	_ =	shalt  }
0x72: {  	_ =	shalt  }
0x73: {  	_ =	shalt  }
0x74: {  	_ =	shalt  }
0x75: {  	_ =	shalt  }
0x76: {  	_ =	shalt  }
0x77: {  	_ =	shalt  }
0x78: {  	_ =	shalt  }
0x79: {  	_ =	shalt  }
0x7a: {  	_ =	shalt  }
0x7b: {  	_ =	shalt  }
0x7c: {  	_ =	shalt  }
0x7d: {  	_ =	shalt  }
0x7e: {  	_ =	shalt  }
0x7f: {  	_ =	shalt  }
0x80: {  	_ =	shalt  }
0x81: {  	_ =	shalt  }
0x82: {  	_ =	shalt  }
0x83: {  	_ =	shalt  }
0x84: {  	_ =	shalt  }
0x85: {  	_ =	shalt  }
0x86: {  	_ =	shalt  }
0x87: {  	_ =	shalt  }
.Lfunc_end0:
.L_simem_size_0:
called_computation.2_lowered:
.L_overlay_start_0:
0x88: {  	s2 =	sld [smem:$0x3FD9]  }
0x89: {  	s3 =	sld [smem:$0x3FFE];
	_ =	sdelay $0x1  }
0x8a: {  	s1 =	srdreg.scid  }
0x8b: {  	s0 =	sand.u32 $0x1, s1  }
0x8c: {  	s16 =	sshll.u32 s0, $0xA;
	s2 =	sadd.s32 s3, s2  }
0x8d: {  	s2 =	sadd.s32 s2, s16  }
0x8e: {  	[smem:$0x3FC3] =	sst s2  }
0x8f: {  	_ = 	snop  }
0x90: {  	(tm) =	ssettm $0x1  }
0x91: {  	s17 =	sld [smem:$0x3FFB];
	_ =	sdelay $0x3  }
0x92: {  	_ =	strace s17  }
0x93: {  	s2 =	sld [smem:$0x3FFC];
	_ =	sdelay $0x3  }
0x94: {  	_ =	strace s2  }
0x95: {  	s2 =	sld [smem:$0x3FFD];
	_ =	sdelay $0x3  }
0x96: {  	_ =	strace s2  }
0x97: {  	_ =	strace $0x8FFFFFFF  }
0x98: {  	s18 =	sld [smem:$0x3FDB];
	_ =	sdelay $0x1  }
0x99: {  	s19 =	simm.s32 $_scs_section_size  }
0x9a: {  	s4 =	simm.s32 $_size__tile_overlayer_lowered;
	s5 =	simm.s32 $_tile_overlayer_lowered  }
0x9b: {  	s22 =	simm.s32 $0x1BFF;
	s21 =	sshll.u32 s5, $0x1;
	s2 =	sadd.s32 s19, s18  }
0x9c: {  	s6 =	simm.s32 $0x0;
	s20 =	sshll.u32 s4, $0x1;
	s4 =	sadd.s32 s21, s2  }
0x9d: {  	[timem:s6], [sflag:s22] =	dma.local [hbm:s4], s20  }
0x9e: {  	_ =	swait.ge [sflag:s22], s20  }
0x9f: {  	s3 =	ssub.s32 $0x0, s20;
	[sflag:s22] =	ssyncset.done $0x0  }
0xa0: {  	[sflag:s22] =	ssyncadd.s32 s3;
	_ =	sdelay $0x1  }
0xa1: {  	s23 =	simm.s32 $0x1B8B  }
0xa2: {  	_ =	swait.ge [sflag:s23], $0x1  }
0xa3: {  	[sflag:s23] =	ssyncset.done $0x0  }
0xa4: {  	s25 =	simm.s32 $0x1B8E;
	s24 =	sld [smem:$0x3FFE];
	[sflag:s23] =	ssyncadd.s32 $0xFFFFFFFF  }
0xa5: {  	s26 =	simm.s32 $execute0_lowered;
	[smem:$0x3FD2] =	sst s25  }
0xa6: {  	s4 =	sshll.u32 s26, $0x1;
	_ =	strace $0x8000004C;
	[dreg:$0x1] =	wrdreg $0xFFFFFFFF  }
0xa7: {  	s28 =	simm.s32 $_size_execute0_lowered;
	s2 =	sadd.s32 s2, s4;
	[dreg:$0x0] =	wrdreg $0x0  }
0xa8: {  	s4 =	sshll.u32 s28, $0x1;
	[dreg:$0x2] =	wrdreg s2  }
0xa9: {  	[dreg:$0x3] =	wrdreg s4  }
0xaa: {  	[dreg:$0x4] =	wrdreg $0xC0  }
0xab: {  	_ =	task [dreg:s6], $0x5FFFF  }
0xac: {  	[dreg:$0x1] =	wrdreg $0xFFFFFFFF  }
0xad: {  	[dreg:$0x0] =	wrdreg $0x60  }
0xae: {  	[dreg:$0x2] =	wrdreg s24  }
0xaf: {  	[dreg:$0x3] =	wrdreg $0xA  }
0xb0: {  	_ =	task.clear_ibuf [dreg:s6], $0x4FFFF;
	_ =	strace $0x9000004C  }
0xb1: {  	s29 =	simm.s32 $0xA;
	_ =	strace $0x8000004E  }
0xb2: {  	_ =	swait.ge [sflag:s29], $0x1  }
0xb3: {  	[sflag:s29] =	ssyncadd.s32 $0xFFFFFFFF  }
0xb4: {  	_ =	strace $0x9000004E  }
0xb5: {  	_ =	sfence  }
0xb6: {  	s30 =	sld [smem:$0x0];
	_ =	sdelay $0x2  }
0xb7: {  	s31 =	sshll.u32 s1, $0xD;
	s1 =	sshrl.u32 s1, $0x2  }
0xb8: {  	s3 =	sand.u32 $0x4000, s31;
	s1 =	sadd.s32 s1, s30  }
0xb9: {  	s0 =	sor.u32 s3, s0;
	s1 =	sshll.u32 s1, $0x11  }
0xba: {  	s0 =	sor.u32 s1, s0  }
0xbb: {  	s0 =	sadd.s32 $0x8F2B, s0  }
0xbc: {  	[sflag:s0] =	ssyncadd.remote.s32 $0x1  }
0xbd: {  	_ =	sfence.sel $0xFFFF  }
0xbe: {  	[dreg:$0x0] =	wrdreg $0xFFFFFFFF;
	(pc) =	sbr.abs _section_cstart, $3  }
0xbf: {  	[dreg:$0x1] =	wrdreg $0xFFFFFFFF  }
0xc0: {  	_ =	task.clear_ibuf [dreg:s6], $0x2FFFF;
	_ =	strace $0x9FFFFFFF  }
0xc1: {  	(tm) =	ssettm $0x7FFFFFFF  }
tec
execute0_lowered:
.L_overlay_start_1:
0x0: {  	(tag) =	ssettag $0x1  }
0x1: {  	s7 =	rddreg [dreg:$0x0]  }
0x2: {  	s0 =	rddreg [dreg:$0x1];
	_ =	strace $0x8000004D  }
0x3: {  	s1 =	srdreg.scid;
	s4 =	simm.s32 $0x1;
	s9 =	simm.s32 $0x3  }
0x4: {  	s11 =	simm.s32 $0x0;
	p0 =	por $0x0, $0x0;
	s5 =	sshll.u32 s1, $0x4  }
.Ltmp0:
0x5: {  	s1 =	stileid.u32;
	s5 =	sand.u32 $0x10, s5;
	(pc) =	sbr.rel .LBB2_1-.Ltmp0, $4  }
0x6: {  	s2 =	sadd.s32 $0x19000, s7;
	s3 =	sadd.s32 $0x18200, s7;
	s6 =	sor.u32 s1, s5  }
0x7: {  	[sflag:s4] =	ssyncpa.u1 $0x0;
	s5 =	simm.s32 $0x2;
	s6 =	sshll.u32 s6, $0x6  }
0x8: {  	s7 =	sadd.s32 $0x119000, s7;
	[sflag:s5] =	ssyncpa.u1 $0x0;
	s8 =	sadd.s32 $0x40, s6  }
0x9: {  	vm0 =	vmmov $0xff;
	vm1 =	vcmask $0x3F20;
	[sflag:s9] =	ssyncpa.u1 $0x0;
	s10 =	smov.u32 s6;
	s9 =	simm.s32 $0x0  }
.LBB2_5:
0xa: {  	p1 =	slt.u32 s9, $0x2;
	s11 =	sadd.s32 $0x10, s10  }
0xb: {  	s13 =	smov.u32 s6;
	s9 =	sadd.s32 $0x1, s9;
	p2 =	slt.s32 s11, s8  }
0xc: {  	s13 =	smov.u32 @p2 s11;
	p2 =	sne.s32 s9, $0x6  }
.Ltmp1:
0xd: {  	_ = 	snop;
	(pc) =	sbr.rel @!p2 .LBB2_6-.Ltmp1, $4  }
0xe: {  	s12 =	simm.s32 @!p1 $0x3  }
0xf: {  	_ =	swait.ge @!p1 [sflag:s12], $0x8000  }
0x10: {  	p0 =	por !p0, !p0;
	[sflag:s12] =	ssyncset.done @!p1 $0x0  }
0x11: {  	s11 =	smov.u32 s10;
	s10 =	smov.u32 s13;
	[sflag:s12] =	ssyncadd.s32 @!p1 $0xFFFF8000  }
.LBB2_1:
0x12: {  	p1 =	sgt.u32 s9, $0x3  }
0x13: {  	s12 =	sxor.u32 @!p1 $0xFFFFFFFF, s9  }
0x14: {  	s13 =	sshrl.u32 @!p1 s10, $0x3;
	s12 =	sshll.u32 @!p1 s12, $0x4  }
0x15: {  	s14 =	sand.u32 @!p1 $0x7, s10;
	s13 =	sadd.s32 @!p1 s3, s13;
	s12 =	sand.u32 @!p1 $0x10, s12  }
0x16: {  	[tilespmem:s12], [sflag:$0x2] =	stream.linear.gather @!p1 [hbm4b:s13+s14], $0x10, $0x38;
	[tilespmem:$0x10020] =	vst v63  }
0x17: {  	p1 =	seq.s32 s9, $0x0  }
0x18: {  	p2 =	seq.s32 @!p1 s9, $0x5  }
0x19: {  	p1 =	por p1, p2  }
.Ltmp2:
0x1a: {  	_ = 	snop;
	(pc) =	sbr.rel @p1 .LBB2_5-.Ltmp2, $1  }
0x1b: {  	_ =	sdelay $0x3  }
0x1c: {  	_ =	swait.ge [sflag:s5], $0x10  }
0x1d: {  	s12 =	sand.u32 $0x1, s9;
	[sflag:s5] =	ssyncset.done $0x0  }
0x1e: {  	s13 =	sshll.u32 s12, $0x4;
	[sflag:s5] =	ssyncadd.s32 $0xFFFFFFF0  }
0x1f: {  	v0 =	vld.msk [tilespmem:s13+$0x0 ss:$0x1], $0xffff;
	_ =	sdelay $0x4  }
0x20: {  	vm2 =	vgt.s32 v0, $0x0  }
0x21: {  	v0 =	vnsel vm2, $0x0, v0  }
0x22: {  	v0 =	vmin.u32 v0, $0xFFF  }
0x23: {  	v1 =	vshll.u32 v0, $0x8;
	v0 =	vshll.u32 v0, $0x4  }
0x24: {  	v1 =	vand.u32 $0xFF800, v1;
	v0 =	vand.u32 $0x70, v0  }
0x25: {  	s13 =	simm.s32 $0x1;
	v0 =	vor.u32 v0, v1  }
0x26: {  	s13 =	simm.s32 @!p0 $0x0  }
0x27: {  	s13 =	sshll.u32 s13, $0xF  }
0x28: {  	s14 =	sor.u32 $0x20, s13  }
0x29: {  	s12 =	sshll.u32 s12, $0xF;
	s16 =	sadd.s32 $0x0, s14  }
0x2a: {  	[tilespmem:s16], [sflag:$0x1] =	stream.indirect_vreg.gather [hbm:s2], $0x80, v0, vm0, $0x38;
	[tilespmem:$0x10020] =	vst v63  }
0x2b: {  	s15 =	simm.s32 $0x1000;
	s13 =	sor.u32 $0x20, s12;
	v1 =	vadd.s32 $0x80, v0;
	s16 =	sadd.s32 $0x4000, s16  }
.LBB2_3:
0x2c: {  	[tilespmem:s16], [sflag:$0x1] =	stream.indirect_vreg.gather [hbm:s2], $0x80, v0, vm1, $0x38;
	[tilespmem:$0x10020] =	vst v63  }
0x2d: {  	v0 =	vmov v1;
	s16 =	smov.u32 s15;
	p1 =	sne.s32 s15, $0xF000  }
.Ltmp3:
0x2e: {  	s15 =	sadd.s32 $0x1000, s15;
	(pc) =	sbr.rel @p1 .LBB2_3-.Ltmp3, $4  }
0x2f: {  	s16 =	sshra.s32 s16, $0x2  }
0x30: {  	s16 =	sadd.s32 s16, s14  }
0x31: {  	[tilespmem:s16], [sflag:$0x1] =	stream.indirect_vreg.gather [hbm:s2], $0x80, v1, vm0, $0x38;
	[tilespmem:$0x10020] =	vst v63  }
0x32: {  	s16 =	sadd.s32 $0x4000, s16;
	v1 =	vadd.s32 $0x80, v1  }
0x33: {  	_ =	sdelay $0x3  }
0x34: {  	[tilespmem:s16], [sflag:$0x1] =	stream.indirect_vreg.gather [hbm:s2], $0x80, v0, vm1, $0x38;
	[tilespmem:$0x10020] =	vst v63  }
0x35: {  	s14 =	sshll.u32 s11, $0x4;
	s31 =	sshll.u32 s11, $0x8  }
0x36: {  	_ =	swait.ge [sflag:s4], $0x8000;
	s14 =	sand.u32 $0x70, s14;
	s11 =	sand.u32 $0xFFFFF800, s31  }
.Ltmp4:
0x37: {  	[sflag:s4] =	ssyncset.done $0x0;
	s14 =	sadd.s32 s7, s14;
	(pc) =	sbr.rel .LBB2_5-.Ltmp4, $4  }
0x38: {  	[sflag:s4] =	ssyncadd.s32 $0xFFFF8000;
	s11 =	sadd.s32 s11, s14  }
0x39: {  	[hbm:s11] =	stream.linear.scatter [tilespmem:s13], [sflag:$0x3], $0x4000, $0x38;
	[tilespmem:$0x10020] =	vst v63  }
0x3a: {  	s12 =	sadd.s32 $0x4020, s12;
	s11 =	sadd.s32 $0x800, s11  }
0x3b: {  	[hbm:s11] =	stream.linear.scatter [tilespmem:s12], [sflag:$0x3], $0x4000, $0x38;
	[tilespmem:$0x10020] =	vst v63  }
.LBB2_6:
0x3c: {  	_ =	sfence.sel $0x180000  }
0x3d: {  	s2 =	simm.s32 $0x2;
	[bflag:$0x0] =	sbarrier.arrive $0xFFFF  }
0x3e: {  	s30 =	simm.s32 $0x3;
	[sflag:s2] =	ssyncpa.u1 $0x1  }
0x3f: {  	s31 =	simm.s32 $0x1;
	[sflag:s30] =	ssyncpa.u1 $0x1  }
0x40: {  	[sflag:s31] =	ssyncpa.u1 $0x1  }
0x41: {  	p0 =	sne.s32 s1, $0x0;
	_ =	strace $0x9000004D  }
0x42: {  	s0 =	sadd.s32 @!p0 $0x100000, s0;
	[bflag:$0x2] =	sbarrier.arrive $0xFFFF  }
0x43: {  	[sflag:s0] =	ssyncadd.tile.s32 @!p0 $0x1;
	_ =	shalt  }
.Lfunc_end2:
_tile_overlayer_lowered:
.L_overlay_start_2:
0x44: {  	(tag) =	ssettag $0x2  }
0x45: {  	s0 =	rddreg [dreg:$0x0];
	s2 =	stileid.u32  }
0x46: {  	s1 =	rddreg [dreg:$0x1];
	p0 =	sne.s32 s2, $0x0  }
0x47: {  	s3 =	rddreg [dreg:$0x2];
	[bflag:$0x3] =	sbarrier.arrive $0xFFFF;
	s2 =	simm.s32 @!p0 $0x1C01  }
0x48: {  	[timem:s3], [sflag:s2] =	dma.local @!p0 [hbm:s0], s1  }
0x49: {  	s0 =	simm.s32 @!p0 $0x1  }
0x4a: {  	_ =	swait.ge @!p0 [sflag:s0], s1  }
0x4b: {  	s1 =	ssub.s32 @!p0 $0x0, s1;
	[sflag:s0] =	ssyncset.done @!p0 $0x0  }
0x4c: {  	[sflag:s0] =	ssyncadd.s32 @!p0 s1  }
0x4d: {  	[bflag:$0x3] =	sbarrier.arrive $0xFFFF  }
0x4e: {  	_ =	shalt  }

// kernel: gather_offload_async_start
scs
__scs_entry_jumppad:
0x0: {  	(pc) =	sbr.rel $0x88, $3  }
0x1: {  	(tag) =	ssettag $0x0;
	lr =	simm.s32 $0x1  }
0x2: {  	[smem:$0x3F9C] =	sst lr;
	_ =	strace $0xD0000000  }
0x3: {  	_ = 	snop  }
0x4: {  	_ = 	snop  }
0x5: {  	_ = 	snop  }
0x6: {  	_ = 	snop  }
0x7: {  	_ = 	snop  }
__scs_overlays_trampoline_lowered:
0x8: {  	[smem:$0x3FAB] =	sst s0  }
0x9: {  	[smem:$0x3FAC] =	sst s1  }
0xa: {  	[smem:$0x3FAD] =	sst s2  }
0xb: {  	[smem:$0x3FAE] =	sst s3  }
0xc: {  	[smem:$0x3FAF] =	sst s4  }
0xd: {  	[smem:$0x3FB0] =	sst s5  }
0xe: {  	[smem:$0x3FB1] =	sst s6  }
0xf: {  	[smem:$0x3FB2] =	sst s7  }
0x10: {  	[smem:$0x3FB3] =	sst s8  }
0x11: {  	[smem:$0x3FB4] =	sst s9;
	s0 =	simm.s32 @!p0 $0x0  }
0x12: {  	s1 =	sld [smem:$0x3F9A];
	s0 =	simm.s32 @p0 $0x1  }
0x13: {  	[smem:$0x3FB5] =	sst s0;
	s0 =	simm.s32 @!p1 $0x0  }
0x14: {  	s2 =	sld [smem:$0x3F99];
	s0 =	simm.s32 @p1 $0x1  }
0x15: {  	[smem:$0x3FB6] =	sst s0;
	s0 =	simm.s32 @!p2 $0x0  }
0x16: {  	s3 =	sld [smem:$0x3FDB];
	s0 =	simm.s32 @p2 $0x1  }
0x17: {  	s4 =	simm.s32 $0x1BF5;
	[smem:$0x3FB8] =	sst s0  }
0x18: {  	s0 =	sld [smem:$0x3F9B];
	_ =	swait.ge [sflag:s4], $0x0  }
0x19: {  	s7 =	sld [smem:$0x3F9C]  }
0x1a: {  	s8 =	sadd.s32 $0xFFFFE003, lr  }
0x1b: {  	s9 =	sadd.s32 $0xFFFFFEF7, lr;
	s5 =	simm.s32 $0xFFFFFFFF;
	p2 =	slt.u32 s8, $0xFFFFF086  }
0x1c: {  	p1 =	slt.u32 s9, $0xF7A;
	s5 =	simm.s32 @!p2 $0x0  }
0x1d: {  	s5 =	simm.s32 @p1 $0x1;
	p0 =	seq.s32 s7, s2  }
0x1e: {  	s7 =	smul.u32 @!p0 $0xF7A, s2;
	p2 =	seq.s32 @!p0 s5, $0x0  }
0x1f: {  	s9 =	smul.u32 $0xF7A, s1;
	s8 =	simm.s32 @!p0 $0x1BF5;
	p2 =	por !p2, p0  }
0x20: {  	[sflag:s8] =	ssyncset.s32 @!p0 $0xFFFFF086;
	s6 =	sadd.s32 @!p0 s3, s7;
	s7 =	simm.s32 @!p0 $0x108  }
0x21: {  	s3 =	sadd.s32 s3, s9;
	s6 =	sadd.s32 @!p0 $0x88, s6;
	s7 =	simm.s32 @p2 $0x1082  }
0x22: {  	[simem:s7], [sflag:s8] =	dma.local @!p0 [hbm:s6], $0xF7A  }
0x23: {  	s9 =	sor.u32 $0xD0000000, s2;
	s6 =	simm.s32 $0x108;
	_ =	swait.ge @!p0 [sflag:s8], $0x0  }
0x24: {  	s3 =	sadd.s32 $0x88, s3;
	s6 =	simm.s32 @!p1 $0x1082;
	[sflag:s4] =	ssyncset.s32 $0xFFFFF086  }
0x25: {  	[simem:s6], [sflag:s4] =	dma.local [hbm:s3], $0xF7A  }
0x26: {  	[smem:$0x3F9C] =	sst s1;
	(tag) =	ssettag s2;
	_ =	strace s9  }
0x27: {  	s1 =	sld [smem:$0x3FAC]  }
0x28: {  	s2 =	sld [smem:$0x3FAD]  }
0x29: {  	s4 =	sld [smem:$0x3FAF]  }
0x2a: {  	p0 =	seq.s32 s5, $0x0;
	s5 =	sld [smem:$0x3FB0]  }
0x2b: {  	s6 =	sld [smem:$0x3FB1]  }
0x2c: {  	s7 =	sld [smem:$0x3FB2]  }
0x2d: {  	s3 =	simm.s32 $0x108;
	s8 =	sld [smem:$0x3FB3]  }
0x2e: {  	s3 =	simm.s32 @!p0 $0x1082;
	s9 =	sld [smem:$0x3FB4]  }
0x2f: {  	lr =	sadd.s32 s0, s3;
	s0 =	sld [smem:$0x3FAB]  }
0x30: {  	s3 =	sld [smem:$0x3FAE]  }
0x31: {  	[smem:$0x3FB7] =	sst s10  }
0x32: {  	s10 =	sld [smem:$0x3FB5];
	_ =	sdelay $0x3  }
0x33: {  	p0 =	seq.s32 s10, $0x1;
	s10 =	sld [smem:$0x3FB7];
	_ =	sdelay $0x3  }
0x34: {  	[smem:$0x3FB7] =	sst s10  }
0x35: {  	s10 =	sld [smem:$0x3FB6];
	_ =	sdelay $0x3  }
0x36: {  	p1 =	seq.s32 s10, $0x1;
	s10 =	sld [smem:$0x3FB7];
	_ =	sdelay $0x3  }
0x37: {  	[smem:$0x3FB7] =	sst s10  }
0x38: {  	s10 =	sld [smem:$0x3FB8]  }
0x39: {  	_ = 	snop;
	(pc) =	sbr.ind lr, $3  }
0x3a: {  	_ = 	snop  }
0x3b: {  	_ = 	snop  }
0x3c: {  	p2 =	seq.s32 s10, $0x1;
	s10 =	sld [smem:$0x3FB7]  }
0x3d: {  	_ =	shalt  }
0x3e: {  	_ =	shalt  }
0x3f: {  	_ =	shalt  }
0x40: {  	_ =	shalt  }
0x41: {  	_ =	shalt  }
0x42: {  	_ =	shalt  }
0x43: {  	_ =	shalt  }
0x44: {  	_ =	shalt  }
0x45: {  	_ =	shalt  }
0x46: {  	_ =	shalt  }
0x47: {  	_ =	shalt  }
0x48: {  	_ =	shalt  }
0x49: {  	_ =	shalt  }
0x4a: {  	_ =	shalt  }
0x4b: {  	_ =	shalt  }
0x4c: {  	_ =	shalt  }
0x4d: {  	_ =	shalt  }
0x4e: {  	_ =	shalt  }
0x4f: {  	_ =	shalt  }
0x50: {  	_ =	shalt  }
0x51: {  	_ =	shalt  }
0x52: {  	_ =	shalt  }
0x53: {  	_ =	shalt  }
0x54: {  	_ =	shalt  }
0x55: {  	_ =	shalt  }
0x56: {  	_ =	shalt  }
0x57: {  	_ =	shalt  }
0x58: {  	_ =	shalt  }
0x59: {  	_ =	shalt  }
0x5a: {  	_ =	shalt  }
0x5b: {  	_ =	shalt  }
0x5c: {  	_ =	shalt  }
0x5d: {  	_ =	shalt  }
0x5e: {  	_ =	shalt  }
0x5f: {  	_ =	shalt  }
0x60: {  	_ =	shalt  }
0x61: {  	_ =	shalt  }
0x62: {  	_ =	shalt  }
0x63: {  	_ =	shalt  }
0x64: {  	_ =	shalt  }
0x65: {  	_ =	shalt  }
0x66: {  	_ =	shalt  }
0x67: {  	_ =	shalt  }
0x68: {  	_ =	shalt  }
0x69: {  	_ =	shalt  }
0x6a: {  	_ =	shalt  }
0x6b: {  	_ =	shalt  }
0x6c: {  	_ =	shalt  }
0x6d: {  	_ =	shalt  }
0x6e: {  	_ =	shalt  }
0x6f: {  	_ =	shalt  }
0x70: {  	_ =	shalt  }
0x71: {  	_ =	shalt  }
0x72: {  	_ =	shalt  }
0x73: {  	_ =	shalt  }
0x74: {  	_ =	shalt  }
0x75: {  	_ =	shalt  }
0x76: {  	_ =	shalt  }
0x77: {  	_ =	shalt  }
0x78: {  	_ =	shalt  }
0x79: {  	_ =	shalt  }
0x7a: {  	_ =	shalt  }
0x7b: {  	_ =	shalt  }
0x7c: {  	_ =	shalt  }
0x7d: {  	_ =	shalt  }
0x7e: {  	_ =	shalt  }
0x7f: {  	_ =	shalt  }
0x80: {  	_ =	shalt  }
0x81: {  	_ =	shalt  }
0x82: {  	_ =	shalt  }
0x83: {  	_ =	shalt  }
0x84: {  	_ =	shalt  }
0x85: {  	_ =	shalt  }
0x86: {  	_ =	shalt  }
0x87: {  	_ =	shalt  }
.Lfunc_end0:
.L_simem_size_0:
called_computation.1_lowered:
.L_overlay_start_0:
0x88: {  	s2 =	sld [smem:$0x3FD9]  }
0x89: {  	s3 =	sld [smem:$0x3FFE];
	_ =	sdelay $0x1  }
0x8a: {  	s1 =	srdreg.scid  }
0x8b: {  	s0 =	sand.u32 $0x1, s1  }
0x8c: {  	s15 =	sshll.u32 s0, $0xA;
	s2 =	sadd.s32 s3, s2  }
0x8d: {  	s2 =	sadd.s32 s2, s15  }
0x8e: {  	[smem:$0x3FC3] =	sst s2  }
0x8f: {  	_ = 	snop  }
0x90: {  	s2 =	sld [smem:$0x3FD0];
	_ =	sdelay $0x2  }
0x91: {  	s16 =	simm.s32 $0xB;
	s4 =	simm.s32 $0x10  }
0x92: {  	[smem:s4], [sflag:s16] =	dma.local [hbm:s2], $0x1  }
0x93: {  	_ =	swait.eq [sflag:s16], $0x1  }
0x94: {  	[sflag:s16] =	ssyncset.done $0x0  }
0x95: {  	[sflag:s16] =	ssyncadd.s32 $0xFFFFFFFF  }
0x96: {  	s17 =	sld [smem:$0x10];
	(tm) =	ssettm $0x1  }
0x97: {  	s18 =	sld [smem:$0x3FFB];
	_ =	sdelay $0x3  }
0x98: {  	_ =	strace s18  }
0x99: {  	s2 =	sld [smem:$0x3FFC];
	_ =	sdelay $0x3  }
0x9a: {  	_ =	strace s2  }
0x9b: {  	s2 =	sld [smem:$0x3FFD];
	_ =	sdelay $0x3  }
0x9c: {  	_ =	strace s2  }
0x9d: {  	_ =	strace $0x8FFFFFFF  }
0x9e: {  	s19 =	sld [smem:$0x3FDB];
	_ =	sdelay $0x1  }
0x9f: {  	s20 =	simm.s32 $_scs_section_size  }
0xa0: {  	s5 =	simm.s32 $_size__tile_overlayer_lowered;
	s6 =	simm.s32 $_tile_overlayer_lowered  }
0xa1: {  	s7 =	simm.s32 $0x1BFF;
	s21 =	sshll.u32 s6, $0x1;
	s4 =	sadd.s32 s20, s19  }
0xa2: {  	s22 =	simm.s32 $0x0;
	s5 =	sshll.u32 s5, $0x1;
	s6 =	sadd.s32 s21, s4  }
0xa3: {  	[timem:s22], [sflag:s7] =	dma.local [hbm:s6], s5  }
0xa4: {  	_ =	swait.ge [sflag:s7], s5  }
0xa5: {  	s5 =	ssub.s32 $0x0, s5;
	[sflag:s7] =	ssyncset.done $0x0  }
0xa6: {  	[sflag:s7] =	ssyncadd.s32 s5;
	_ =	sdelay $0x1  }
0xa7: {  	s23 =	simm.s32 $0x1B8B  }
0xa8: {  	_ =	swait.ge [sflag:s23], $0x1  }
0xa9: {  	[sflag:s23] =	ssyncset.done $0x0  }
0xaa: {  	[sflag:s23] =	ssyncadd.s32 $0xFFFFFFFF  }
0xab: {  	s5 =	sld [smem:$0x0]  }
0xac: {  	s6 =	sand.u32 $0xFFFFFFFE, s1  }
0xad: {  	p0 =	sne.s32 s1, s6  }
0xae: {  	s6 =	sshll.u32 @p0 s6, $0xE  }
0xaf: {  	s6 =	sadd.s32 @p0 $0x11B8D, s6;
	s7 =	sshll.u32 @p0 s5, $0x11  }
0xb0: {  	s6 =	sor.u32 @p0 s7, s6  }
0xb1: {  	[sflag:s6] =	ssyncadd.remote.s32 @p0 $0x1;
	_ =	sdelay $0x1  }
0xb2: {  	s6 =	simm.s32 @p0 $0x1B8D  }
0xb3: {  	_ =	swait.eq @p0 [sflag:s6], $0x1  }
0xb4: {  	[sflag:s6] =	ssyncadd.s32 @p0 $0xFFFFFFFF  }
0xb5: {  	s7 =	sshll.u32 @!p0 s1, $0xE  }
0xb6: {  	s7 =	sor.u32 @!p0 $0x4000, s7;
	s6 =	simm.s32 @!p0 $0x1B8D  }
0xb7: {  	s5 =	sshll.u32 @!p0 s5, $0x11;
	s7 =	sadd.s32 @!p0 $0x11B8D, s7;
	_ =	swait.eq @!p0 [sflag:s6], $0x1  }
0xb8: {  	s5 =	sor.u32 @!p0 s5, s7;
	[sflag:s6] =	ssyncadd.s32 @!p0 $0xFFFFFFFF  }
0xb9: {  	s25 =	simm.s32 $0x1B8E;
	s24 =	sld [smem:$0x3FFE];
	[sflag:s5] =	ssyncadd.remote.s32 @!p0 $0x1  }
0xba: {  	s26 =	simm.s32 $execute0_lowered;
	[smem:$0x3FD2] =	sst s25  }
0xbb: {  	s6 =	sshll.u32 s26, $0x1;
	_ =	strace $0x8000004F;
	[dreg:$0x1] =	wrdreg $0xFFFFFFFF  }
0xbc: {  	s28 =	simm.s32 $_size_execute0_lowered;
	s4 =	sadd.s32 s4, s6;
	[dreg:$0x0] =	wrdreg $0x0  }
0xbd: {  	s6 =	sshll.u32 s28, $0x1;
	[dreg:$0x2] =	wrdreg s4  }
0xbe: {  	[dreg:$0x3] =	wrdreg s6  }
0xbf: {  	[dreg:$0x4] =	wrdreg $0xC0  }
0xc0: {  	_ =	task [dreg:s22], $0x5FFFF  }
0xc1: {  	[dreg:$0x1] =	wrdreg $0xFFFFFFFF  }
0xc2: {  	[dreg:$0x0] =	wrdreg $0x60  }
0xc3: {  	[dreg:$0x2] =	wrdreg s24  }
0xc4: {  	[dreg:$0x3] =	wrdreg s17  }
0xc5: {  	[dreg:$0x4] =	wrdreg $0x9  }
0xc6: {  	_ =	task.clear_ibuf [dreg:s22], $0x5FFFF;
	_ =	strace $0x9000004F  }
0xc7: {  	s29 =	simm.s32 $0x9;
	_ =	strace $0x80000051  }
0xc8: {  	_ =	swait.ge [sflag:s29], $0x1  }
0xc9: {  	[sflag:s29] =	ssyncadd.s32 $0xFFFFFFFF  }
0xca: {  	_ =	strace $0x90000051  }
0xcb: {  	_ =	sfence  }
0xcc: {  	s30 =	sld [smem:$0x0];
	_ =	sdelay $0x2  }
0xcd: {  	s31 =	sshll.u32 s1, $0xD;
	s1 =	sshrl.u32 s1, $0x2  }
0xce: {  	s4 =	sand.u32 $0x4000, s31;
	s1 =	sadd.s32 s1, s30  }
0xcf: {  	s0 =	sor.u32 s4, s0;
	s1 =	sshll.u32 s1, $0x11  }
0xd0: {  	s0 =	sor.u32 s1, s0  }
0xd1: {  	s0 =	sadd.s32 $0x8F2B, s0  }
0xd2: {  	[sflag:s0] =	ssyncadd.remote.s32 $0x1  }
0xd3: {  	_ =	sfence.sel $0xFFFF  }
0xd4: {  	[dreg:$0x0] =	wrdreg $0xFFFFFFFF;
	(pc) =	sbr.abs _section_cstart, $3  }
0xd5: {  	[dreg:$0x1] =	wrdreg $0xFFFFFFFF  }
0xd6: {  	_ =	task.clear_ibuf [dreg:s22], $0x2FFFF;
	_ =	strace $0x9FFFFFFF  }
0xd7: {  	(tm) =	ssettm $0x7FFFFFFF  }
tec
execute0_lowered:
.L_overlay_start_1:
0x0: {  	(tag) =	ssettag $0x1  }
0x1: {  	s7 =	rddreg [dreg:$0x0]  }
0x2: {  	s2 =	rddreg [dreg:$0x1]  }
0x3: {  	s0 =	rddreg [dreg:$0x2]  }
0x4: {  	s1 =	srdreg.scid;
	_ =	strace $0x80000050;
	s4 =	simm.s32 $0x1  }
0x5: {  	s9 =	simm.s32 $0x3;
	s11 =	simm.s32 $0x0;
	s5 =	sshll.u32 s1, $0x4  }
.Ltmp0:
0x6: {  	s1 =	stileid.u32;
	s5 =	sand.u32 $0x10, s5;
	(pc) =	sbr.rel .LBB2_1-.Ltmp0, $4  }
0x7: {  	p0 =	por $0x0, $0x0;
	s3 =	sadd.s32 $0x19000, s7;
	s6 =	sor.u32 s1, s5  }
0x8: {  	[sflag:s4] =	ssyncpa.u1 $0x0;
	s5 =	simm.s32 $0x2;
	s6 =	sshll.u32 s6, $0x6  }
0x9: {  	s7 =	sadd.s32 $0x18400, s7;
	[sflag:s5] =	ssyncpa.u1 $0x0;
	s8 =	sadd.s32 $0x40, s6  }
0xa: {  	vm0 =	vmmov $0xff;
	vm1 =	vcmask $0x3F20;
	[sflag:s9] =	ssyncpa.u1 $0x0;
	s10 =	smov.u32 s6;
	s9 =	simm.s32 $0x0  }
.LBB2_5:
0xb: {  	p1 =	slt.u32 s9, $0x2;
	s11 =	sadd.s32 $0x10, s10  }
0xc: {  	s13 =	smov.u32 s6;
	s9 =	sadd.s32 $0x1, s9;
	p2 =	slt.s32 s11, s8  }
0xd: {  	s13 =	smov.u32 @p2 s11;
	p2 =	sne.s32 s9, $0x6  }
.Ltmp1:
0xe: {  	_ = 	snop;
	(pc) =	sbr.rel @!p2 .LBB2_6-.Ltmp1, $4  }
0xf: {  	s12 =	simm.s32 @!p1 $0x3  }
0x10: {  	_ =	swait.ge @!p1 [sflag:s12], $0x8000  }
0x11: {  	p0 =	por !p0, !p0;
	[sflag:s12] =	ssyncset.done @!p1 $0x0  }
0x12: {  	s11 =	smov.u32 s10;
	s10 =	smov.u32 s13;
	[sflag:s12] =	ssyncadd.s32 @!p1 $0xFFFF8000  }
.LBB2_1:
0x13: {  	p1 =	sgt.u32 s9, $0x3  }
0x14: {  	s12 =	sxor.u32 @!p1 $0xFFFFFFFF, s9  }
0x15: {  	s13 =	sshrl.u32 @!p1 s10, $0x3;
	s12 =	sshll.u32 @!p1 s12, $0x4  }
0x16: {  	s14 =	sand.u32 @!p1 $0x7, s10;
	s13 =	sadd.s32 @!p1 s7, s13;
	s12 =	sand.u32 @!p1 $0x10, s12  }
0x17: {  	[tilespmem:s12], [sflag:$0x2] =	stream.linear.gather @!p1 [hbm4b:s13+s14], $0x10, $0x38;
	[tilespmem:$0x10020] =	vst v63  }
0x18: {  	p1 =	seq.s32 s9, $0x0  }
0x19: {  	p2 =	seq.s32 @!p1 s9, $0x5  }
0x1a: {  	p1 =	por p1, p2  }
.Ltmp2:
0x1b: {  	_ = 	snop;
	(pc) =	sbr.rel @p1 .LBB2_5-.Ltmp2, $1  }
0x1c: {  	_ =	sdelay $0x3  }
0x1d: {  	_ =	swait.ge [sflag:s5], $0x10  }
0x1e: {  	s12 =	sand.u32 $0x1, s9;
	[sflag:s5] =	ssyncset.done $0x0  }
0x1f: {  	s13 =	sshll.u32 s12, $0x4;
	[sflag:s5] =	ssyncadd.s32 $0xFFFFFFF0  }
0x20: {  	v0 =	vld.msk [tilespmem:s13+$0x0 ss:$0x1], $0xffff;
	_ =	sdelay $0x4  }
0x21: {  	vm2 =	vgt.s32 v0, $0x0  }
0x22: {  	v0 =	vnsel vm2, $0x0, v0  }
0x23: {  	v0 =	vmin.u32 v0, $0xFFF  }
0x24: {  	v1 =	vshll.u32 v0, $0x8;
	v0 =	vshll.u32 v0, $0x4  }
0x25: {  	v1 =	vand.u32 $0xFF800, v1;
	v0 =	vand.u32 $0x70, v0  }
0x26: {  	s13 =	simm.s32 $0x1;
	v0 =	vor.u32 v0, v1  }
0x27: {  	s13 =	simm.s32 @!p0 $0x0  }
0x28: {  	s13 =	sshll.u32 s13, $0xF  }
0x29: {  	s14 =	sor.u32 $0x20, s13  }
0x2a: {  	s12 =	sshll.u32 s12, $0xF;
	s16 =	sadd.s32 $0x0, s14  }
0x2b: {  	[tilespmem:s16], [sflag:$0x1] =	stream.indirect_vreg.gather [hbm:s3], $0x80, v0, vm0, $0x38;
	[tilespmem:$0x10020] =	vst v63  }
0x2c: {  	s15 =	simm.s32 $0x1000;
	s13 =	sor.u32 $0x20, s12;
	v1 =	vadd.s32 $0x80, v0;
	s16 =	sadd.s32 $0x4000, s16  }
.LBB2_3:
0x2d: {  	[tilespmem:s16], [sflag:$0x1] =	stream.indirect_vreg.gather [hbm:s3], $0x80, v0, vm1, $0x38;
	[tilespmem:$0x10020] =	vst v63  }
0x2e: {  	v0 =	vmov v1;
	s16 =	smov.u32 s15;
	p1 =	sne.s32 s15, $0xF000  }
.Ltmp3:
0x2f: {  	s15 =	sadd.s32 $0x1000, s15;
	(pc) =	sbr.rel @p1 .LBB2_3-.Ltmp3, $4  }
0x30: {  	s16 =	sshra.s32 s16, $0x2  }
0x31: {  	s16 =	sadd.s32 s16, s14  }
0x32: {  	[tilespmem:s16], [sflag:$0x1] =	stream.indirect_vreg.gather [hbm:s3], $0x80, v1, vm0, $0x38;
	[tilespmem:$0x10020] =	vst v63  }
0x33: {  	s16 =	sadd.s32 $0x4000, s16;
	v1 =	vadd.s32 $0x80, v1  }
0x34: {  	_ =	sdelay $0x3  }
0x35: {  	[tilespmem:s16], [sflag:$0x1] =	stream.indirect_vreg.gather [hbm:s3], $0x80, v0, vm1, $0x38;
	[tilespmem:$0x10020] =	vst v63  }
0x36: {  	s14 =	sshll.u32 s11, $0x4;
	s31 =	sshll.u32 s11, $0x8  }
0x37: {  	_ =	swait.ge [sflag:s4], $0x8000;
	s14 =	sand.u32 $0x70, s14;
	s11 =	sand.u32 $0xFFFFF800, s31  }
.Ltmp4:
0x38: {  	[sflag:s4] =	ssyncset.done $0x0;
	s14 =	sadd.s32 s2, s14;
	(pc) =	sbr.rel .LBB2_5-.Ltmp4, $4  }
0x39: {  	[sflag:s4] =	ssyncadd.s32 $0xFFFF8000;
	s11 =	sadd.s32 s11, s14  }
0x3a: {  	[hbm:s11] =	stream.linear.scatter [tilespmem:s13], [sflag:$0x3], $0x4000, $0x38;
	[tilespmem:$0x10020] =	vst v63  }
0x3b: {  	s12 =	sadd.s32 $0x4020, s12;
	s11 =	sadd.s32 $0x800, s11  }
0x3c: {  	[hbm:s11] =	stream.linear.scatter [tilespmem:s12], [sflag:$0x3], $0x4000, $0x38;
	[tilespmem:$0x10020] =	vst v63  }
.LBB2_6:
0x3d: {  	_ =	sfence.sel $0x180000  }
0x3e: {  	s2 =	simm.s32 $0x2;
	[bflag:$0x0] =	sbarrier.arrive $0xFFFF  }
0x3f: {  	s30 =	simm.s32 $0x3;
	[sflag:s2] =	ssyncpa.u1 $0x1  }
0x40: {  	s31 =	simm.s32 $0x1;
	[sflag:s30] =	ssyncpa.u1 $0x1  }
0x41: {  	[sflag:s31] =	ssyncpa.u1 $0x1  }
0x42: {  	p0 =	sne.s32 s1, $0x0;
	_ =	strace $0x90000050  }
0x43: {  	s0 =	sadd.s32 @!p0 $0x100000, s0;
	[bflag:$0x2] =	sbarrier.arrive $0xFFFF  }
0x44: {  	[sflag:s0] =	ssyncadd.tile.s32 @!p0 $0x1;
	_ =	shalt  }
.Lfunc_end2:
_tile_overlayer_lowered:
.L_overlay_start_2:
0x45: {  	(tag) =	ssettag $0x2  }
0x46: {  	s0 =	rddreg [dreg:$0x0];
	s2 =	stileid.u32  }
0x47: {  	s1 =	rddreg [dreg:$0x1];
	p0 =	sne.s32 s2, $0x0  }
0x48: {  	s3 =	rddreg [dreg:$0x2];
	[bflag:$0x3] =	sbarrier.arrive $0xFFFF;
	s2 =	simm.s32 @!p0 $0x1C01  }
0x49: {  	[timem:s3], [sflag:s2] =	dma.local @!p0 [hbm:s0], s1  }
0x4a: {  	s0 =	simm.s32 @!p0 $0x1  }
0x4b: {  	_ =	swait.ge @!p0 [sflag:s0], s1  }
0x4c: {  	s1 =	ssub.s32 @!p0 $0x0, s1;
	[sflag:s0] =	ssyncset.done @!p0 $0x0  }
0x4d: {  	[sflag:s0] =	ssyncadd.s32 @!p0 s1  }
0x4e: {  	[bflag:$0x3] =	sbarrier.arrive $0xFFFF  }
0x4f: {  	_ =	shalt  }

// kernel: kernel.5.cloned.1.call-start
scs
__scs_entry_jumppad:
0x0: {  	(pc) =	sbr.rel $0x88, $3  }
0x1: {  	(tag) =	ssettag $0x0;
	lr =	simm.s32 $0x1  }
0x2: {  	[smem:$0x3F9C] =	sst lr;
	_ =	strace $0xD0000000  }
0x3: {  	_ = 	snop  }
0x4: {  	_ = 	snop  }
0x5: {  	_ = 	snop  }
0x6: {  	_ = 	snop  }
0x7: {  	_ = 	snop  }
__scs_overlays_trampoline_lowered:
0x8: {  	[smem:$0x3FAB] =	sst s0  }
0x9: {  	[smem:$0x3FAC] =	sst s1  }
0xa: {  	[smem:$0x3FAD] =	sst s2  }
0xb: {  	[smem:$0x3FAE] =	sst s3  }
0xc: {  	[smem:$0x3FAF] =	sst s4  }
0xd: {  	[smem:$0x3FB0] =	sst s5  }
0xe: {  	[smem:$0x3FB1] =	sst s6  }
0xf: {  	[smem:$0x3FB2] =	sst s7  }
0x10: {  	[smem:$0x3FB3] =	sst s8  }
0x11: {  	[smem:$0x3FB4] =	sst s9;
	s0 =	simm.s32 @!p0 $0x0  }
0x12: {  	s1 =	sld [smem:$0x3F9A];
	s0 =	simm.s32 @p0 $0x1  }
0x13: {  	[smem:$0x3FB5] =	sst s0;
	s0 =	simm.s32 @!p1 $0x0  }
0x14: {  	s2 =	sld [smem:$0x3F99];
	s0 =	simm.s32 @p1 $0x1  }
0x15: {  	[smem:$0x3FB6] =	sst s0;
	s0 =	simm.s32 @!p2 $0x0  }
0x16: {  	s3 =	sld [smem:$0x3FDB];
	s0 =	simm.s32 @p2 $0x1  }
0x17: {  	s4 =	simm.s32 $0x1BF5;
	[smem:$0x3FB8] =	sst s0  }
0x18: {  	s0 =	sld [smem:$0x3F9B];
	_ =	swait.ge [sflag:s4], $0x0  }
0x19: {  	s7 =	sld [smem:$0x3F9C]  }
0x1a: {  	s8 =	sadd.s32 $0xFFFFE003, lr  }
0x1b: {  	s9 =	sadd.s32 $0xFFFFFEF7, lr;
	s5 =	simm.s32 $0xFFFFFFFF;
	p2 =	slt.u32 s8, $0xFFFFF086  }
0x1c: {  	p1 =	slt.u32 s9, $0xF7A;
	s5 =	simm.s32 @!p2 $0x0  }
0x1d: {  	s5 =	simm.s32 @p1 $0x1;
	p0 =	seq.s32 s7, s2  }
0x1e: {  	s7 =	smul.u32 @!p0 $0xF7A, s2;
	p2 =	seq.s32 @!p0 s5, $0x0  }
0x1f: {  	s9 =	smul.u32 $0xF7A, s1;
	s8 =	simm.s32 @!p0 $0x1BF5;
	p2 =	por !p2, p0  }
0x20: {  	[sflag:s8] =	ssyncset.s32 @!p0 $0xFFFFF086;
	s6 =	sadd.s32 @!p0 s3, s7;
	s7 =	simm.s32 @!p0 $0x108  }
0x21: {  	s3 =	sadd.s32 s3, s9;
	s6 =	sadd.s32 @!p0 $0x88, s6;
	s7 =	simm.s32 @p2 $0x1082  }
0x22: {  	[simem:s7], [sflag:s8] =	dma.local @!p0 [hbm:s6], $0xF7A  }
0x23: {  	s9 =	sor.u32 $0xD0000000, s2;
	s6 =	simm.s32 $0x108;
	_ =	swait.ge @!p0 [sflag:s8], $0x0  }
0x24: {  	s3 =	sadd.s32 $0x88, s3;
	s6 =	simm.s32 @!p1 $0x1082;
	[sflag:s4] =	ssyncset.s32 $0xFFFFF086  }
0x25: {  	[simem:s6], [sflag:s4] =	dma.local [hbm:s3], $0xF7A  }
0x26: {  	[smem:$0x3F9C] =	sst s1;
	(tag) =	ssettag s2;
	_ =	strace s9  }
0x27: {  	s1 =	sld [smem:$0x3FAC]  }
0x28: {  	s2 =	sld [smem:$0x3FAD]  }
0x29: {  	s4 =	sld [smem:$0x3FAF]  }
0x2a: {  	p0 =	seq.s32 s5, $0x0;
	s5 =	sld [smem:$0x3FB0]  }
0x2b: {  	s6 =	sld [smem:$0x3FB1]  }
0x2c: {  	s7 =	sld [smem:$0x3FB2]  }
0x2d: {  	s3 =	simm.s32 $0x108;
	s8 =	sld [smem:$0x3FB3]  }
0x2e: {  	s3 =	simm.s32 @!p0 $0x1082;
	s9 =	sld [smem:$0x3FB4]  }
0x2f: {  	lr =	sadd.s32 s0, s3;
	s0 =	sld [smem:$0x3FAB]  }
0x30: {  	s3 =	sld [smem:$0x3FAE]  }
0x31: {  	[smem:$0x3FB7] =	sst s10  }
0x32: {  	s10 =	sld [smem:$0x3FB5];
	_ =	sdelay $0x3  }
0x33: {  	p0 =	seq.s32 s10, $0x1;
	s10 =	sld [smem:$0x3FB7];
	_ =	sdelay $0x3  }
0x34: {  	[smem:$0x3FB7] =	sst s10  }
0x35: {  	s10 =	sld [smem:$0x3FB6];
	_ =	sdelay $0x3  }
0x36: {  	p1 =	seq.s32 s10, $0x1;
	s10 =	sld [smem:$0x3FB7];
	_ =	sdelay $0x3  }
0x37: {  	[smem:$0x3FB7] =	sst s10  }
0x38: {  	s10 =	sld [smem:$0x3FB8]  }
0x39: {  	_ = 	snop;
	(pc) =	sbr.ind lr, $3  }
0x3a: {  	_ = 	snop  }
0x3b: {  	_ = 	snop  }
0x3c: {  	p2 =	seq.s32 s10, $0x1;
	s10 =	sld [smem:$0x3FB7]  }
0x3d: {  	_ =	shalt  }
0x3e: {  	_ =	shalt  }
0x3f: {  	_ =	shalt  }
0x40: {  	_ =	shalt  }
0x41: {  	_ =	shalt  }
0x42: {  	_ =	shalt  }
0x43: {  	_ =	shalt  }
0x44: {  	_ =	shalt  }
0x45: {  	_ =	shalt  }
0x46: {  	_ =	shalt  }
0x47: {  	_ =	shalt  }
0x48: {  	_ =	shalt  }
0x49: {  	_ =	shalt  }
0x4a: {  	_ =	shalt  }
0x4b: {  	_ =	shalt  }
0x4c: {  	_ =	shalt  }
0x4d: {  	_ =	shalt  }
0x4e: {  	_ =	shalt  }
0x4f: {  	_ =	shalt  }
0x50: {  	_ =	shalt  }
0x51: {  	_ =	shalt  }
0x52: {  	_ =	shalt  }
0x53: {  	_ =	shalt  }
0x54: {  	_ =	shalt  }
0x55: {  	_ =	shalt  }
0x56: {  	_ =	shalt  }
0x57: {  	_ =	shalt  }
0x58: {  	_ =	shalt  }
0x59: {  	_ =	shalt  }
0x5a: {  	_ =	shalt  }
0x5b: {  	_ =	shalt  }
0x5c: {  	_ =	shalt  }
0x5d: {  	_ =	shalt  }
0x5e: {  	_ =	shalt  }
0x5f: {  	_ =	shalt  }
0x60: {  	_ =	shalt  }
0x61: {  	_ =	shalt  }
0x62: {  	_ =	shalt  }
0x63: {  	_ =	shalt  }
0x64: {  	_ =	shalt  }
0x65: {  	_ =	shalt  }
0x66: {  	_ =	shalt  }
0x67: {  	_ =	shalt  }
0x68: {  	_ =	shalt  }
0x69: {  	_ =	shalt  }
0x6a: {  	_ =	shalt  }
0x6b: {  	_ =	shalt  }
0x6c: {  	_ =	shalt  }
0x6d: {  	_ =	shalt  }
0x6e: {  	_ =	shalt  }
0x6f: {  	_ =	shalt  }
0x70: {  	_ =	shalt  }
0x71: {  	_ =	shalt  }
0x72: {  	_ =	shalt  }
0x73: {  	_ =	shalt  }
0x74: {  	_ =	shalt  }
0x75: {  	_ =	shalt  }
0x76: {  	_ =	shalt  }
0x77: {  	_ =	shalt  }
0x78: {  	_ =	shalt  }
0x79: {  	_ =	shalt  }
0x7a: {  	_ =	shalt  }
0x7b: {  	_ =	shalt  }
0x7c: {  	_ =	shalt  }
0x7d: {  	_ =	shalt  }
0x7e: {  	_ =	shalt  }
0x7f: {  	_ =	shalt  }
0x80: {  	_ =	shalt  }
0x81: {  	_ =	shalt  }
0x82: {  	_ =	shalt  }
0x83: {  	_ =	shalt  }
0x84: {  	_ =	shalt  }
0x85: {  	_ =	shalt  }
0x86: {  	_ =	shalt  }
0x87: {  	_ =	shalt  }
.Lfunc_end0:
.L_simem_size_0:
called_computation.3_lowered:
.L_overlay_start_0:
0x88: {  	s2 =	sld [smem:$0x3FD9]  }
0x89: {  	s3 =	sld [smem:$0x3FFE];
	_ =	sdelay $0x1  }
0x8a: {  	s1 =	srdreg.scid  }
0x8b: {  	s0 =	sand.u32 $0x1, s1  }
0x8c: {  	s14 =	sshll.u32 s0, $0xA;
	s2 =	sadd.s32 s3, s2  }
0x8d: {  	s2 =	sadd.s32 s2, s14  }
0x8e: {  	[smem:$0x3FC3] =	sst s2  }
0x8f: {  	_ = 	snop  }
0x90: {  	s2 =	sld [smem:$0x3FD0];
	_ =	sdelay $0x2  }
0x91: {  	s15 =	simm.s32 $0xB;
	s4 =	simm.s32 $0x10  }
0x92: {  	[smem:s4], [sflag:s15] =	dma.local [hbm:s2], $0x1  }
0x93: {  	_ =	swait.eq [sflag:s15], $0x1  }
0x94: {  	[sflag:s15] =	ssyncset.done $0x0  }
0x95: {  	[sflag:s15] =	ssyncadd.s32 $0xFFFFFFFF  }
0x96: {  	s16 =	sld [smem:$0x10];
	(tm) =	ssettm $0x1  }
0x97: {  	s17 =	sld [smem:$0x3FFB];
	_ =	sdelay $0x3  }
0x98: {  	_ =	strace s17  }
0x99: {  	s3 =	sld [smem:$0x3FFC];
	_ =	sdelay $0x3  }
0x9a: {  	_ =	strace s3  }
0x9b: {  	s3 =	sld [smem:$0x3FFD];
	_ =	sdelay $0x3  }
0x9c: {  	_ =	strace s3  }
0x9d: {  	_ =	strace $0x8FFFFFFF  }
0x9e: {  	s18 =	sld [smem:$0x3FDB];
	_ =	sdelay $0x1  }
0x9f: {  	s19 =	simm.s32 $_scs_section_size  }
0xa0: {  	s5 =	simm.s32 $_size__tile_overlayer_lowered;
	s6 =	simm.s32 $_tile_overlayer_lowered  }
0xa1: {  	s22 =	simm.s32 $0x1BFF;
	s21 =	sshll.u32 s6, $0x1;
	s3 =	sadd.s32 s19, s18  }
0xa2: {  	s7 =	simm.s32 $0x0;
	s20 =	sshll.u32 s5, $0x1;
	s5 =	sadd.s32 s21, s3  }
0xa3: {  	[timem:s7], [sflag:s22] =	dma.local [hbm:s5], s20  }
0xa4: {  	_ =	swait.ge [sflag:s22], s20  }
0xa5: {  	s4 =	ssub.s32 $0x0, s20;
	[sflag:s22] =	ssyncset.done $0x0  }
0xa6: {  	[sflag:s22] =	ssyncadd.s32 s4;
	_ =	sdelay $0x1  }
0xa7: {  	s23 =	simm.s32 $0x1B8B  }
0xa8: {  	_ =	swait.ge [sflag:s23], $0x1  }
0xa9: {  	[sflag:s23] =	ssyncset.done $0x0  }
0xaa: {  	s25 =	simm.s32 $0x1B8E;
	s24 =	sld [smem:$0x3FFE];
	[sflag:s23] =	ssyncadd.s32 $0xFFFFFFFF  }
0xab: {  	s26 =	simm.s32 $execute0_lowered;
	[smem:$0x3FD2] =	sst s25  }
0xac: {  	s5 =	sshll.u32 s26, $0x1;
	_ =	strace $0x80000046;
	[dreg:$0x1] =	wrdreg $0xFFFFFFFF  }
0xad: {  	s28 =	simm.s32 $_size_execute0_lowered;
	s3 =	sadd.s32 s3, s5;
	[dreg:$0x0] =	wrdreg $0x0  }
0xae: {  	s5 =	sshll.u32 s28, $0x1;
	[dreg:$0x2] =	wrdreg s3  }
0xaf: {  	[dreg:$0x3] =	wrdreg s5  }
0xb0: {  	[dreg:$0x4] =	wrdreg $0xC0  }
0xb1: {  	_ =	task [dreg:s7], $0x5FFFF  }
0xb2: {  	[dreg:$0x1] =	wrdreg $0xFFFFFFFF  }
0xb3: {  	[dreg:$0x0] =	wrdreg $0x60  }
0xb4: {  	[dreg:$0x2] =	wrdreg s16  }
0xb5: {  	[dreg:$0x3] =	wrdreg s24  }
0xb6: {  	[dreg:$0x4] =	wrdreg $0x9  }
0xb7: {  	_ =	task.clear_ibuf [dreg:s7], $0x5FFFF;
	_ =	strace $0x90000046  }
0xb8: {  	s29 =	simm.s32 $0x9;
	_ =	strace $0x80000048  }
0xb9: {  	_ =	swait.ge [sflag:s29], $0x1  }
0xba: {  	[sflag:s29] =	ssyncadd.s32 $0xFFFFFFFF  }
0xbb: {  	_ =	strace $0x90000048  }
0xbc: {  	_ =	sfence  }
0xbd: {  	s30 =	sld [smem:$0x0];
	_ =	sdelay $0x2  }
0xbe: {  	s31 =	sshll.u32 s1, $0xD;
	s1 =	sshrl.u32 s1, $0x2  }
0xbf: {  	s3 =	sand.u32 $0x4000, s31;
	s1 =	sadd.s32 s1, s30  }
0xc0: {  	s0 =	sor.u32 s3, s0;
	s1 =	sshll.u32 s1, $0x11  }
0xc1: {  	s0 =	sor.u32 s1, s0  }
0xc2: {  	s0 =	sadd.s32 $0x8F2B, s0  }
0xc3: {  	[sflag:s0] =	ssyncadd.remote.s32 $0x1  }
0xc4: {  	_ =	sfence.sel $0xFFFF  }
0xc5: {  	[dreg:$0x0] =	wrdreg $0xFFFFFFFF;
	(pc) =	sbr.abs _section_cstart, $3  }
0xc6: {  	[dreg:$0x1] =	wrdreg $0xFFFFFFFF  }
0xc7: {  	_ =	task.clear_ibuf [dreg:s7], $0x2FFFF;
	_ =	strace $0x9FFFFFFF  }
0xc8: {  	(tm) =	ssettm $0x7FFFFFFF  }
0xc9: {  	_ =	shalt  }
tec
execute0_lowered:
.L_overlay_start_1:
0x0: {  	(tag) =	ssettag $0x1  }
0x1: {  	s0 =	srdreg.scid  }
0x2: {  	s1 =	rddreg [dreg:$0x0];
	s2 =	stileid.u32  }
0x3: {  	s6 =	rddreg [dreg:$0x1];
	s25 =	simm.s32 $0x10000;
	s8 =	simm.s32 $0x2  }
0x4: {  	s26 =	simm.s32 $0x10080;
	s19 =	simm.s32 $0x1800;
	s20 =	simm.s32 $0x2000  }
0x5: {  	s21 =	simm.s32 $0x2800;
	s28 =	simm.s32 $0x5800;
	s29 =	simm.s32 $0x6000  }
0x6: {  	s30 =	simm.s32 $0x6800;
	s31 =	simm.s32 $0x7000;
	s9 =	simm.s32 $0x8800  }
0x7: {  	s10 =	simm.s32 $0x9000;
	s11 =	simm.s32 $0x9800;
	s12 =	simm.s32 $0xA000  }
0x8: {  	s13 =	simm.s32 $0xA800;
	s14 =	simm.s32 $0xB000;
	s15 =	simm.s32 $0xB800  }
0x9: {  	s0 =	sand.u32 $0x1, s0;
	s3 =	sshll.u32 s2, $0x7;
	s2 =	simm.s32 $0x0  }
0xa: {  	s16 =	simm.s32 $0xC000;
	s4 =	sshll.u32 s0, $0x6;
	[smem:$0x7FF] =	sst s2  }
0xb: {  	s0 =	ssub.s32 $0x2, s0;
	_ =	strace $0x80000047;
	[dreg:$0x6] =	wrdreg s25  }
0xc: {  	s3 =	sor.u32 s4, s3;
	s22 =	sshrl.u32 s0, $0x1;
	[dreg:$0x7] =	wrdreg s26  }
0xd: {  	s25 =	simm.s32 $0x4800;
	s26 =	simm.s32 $0x5000;
	s4 =	sshrl.u32 s3, $0x3  }
0xe: {  	s5 =	sshll.u32 s3, $0x7;
	s3 =	sadd.s32 $0x19000, s6;
	s0 =	ssub.s32 s0, s22  }
0xf: {  	s22 =	simm.s32 $0x3000;
	s4 =	sadd.s32 s4, s6;
	s1 =	sadd.s32 s1, s5  }
0x10: {  	s5 =	sadd.s32 $0x19200, s6;
	s7 =	smax.u32 s0, $0x1;
	[dreg:$0x3] =	wrdreg s1  }
0x11: {  	v2 =	vlaneseq.u32;
	s23 =	sadd.s32 $0x18800, s4;
	s24 =	sadd.s32 $0x18A00, s4;
	s4 =	sadd.s32 $0x19100, s6  }
0x12: {  	vm0 =	vmmov $0xffff;
	v1 =	vshrl.u32 v2, $0x3;
	s6 =	sadd.s32 $0x19300, s6;
	s1 =	simm.s32 $0x7800;
	[dreg:$0x4] =	wrdreg s23  }
0x13: {  	v0 =	vand.u32 $0x7, v2;
	v2 =	vor.u32 $0x8, v2;
	v1 =	vmul.u32 $0x8, v1;
	[dreg:$0x5] =	wrdreg s24;
	s23 =	simm.s32 $0x3800;
	s24 =	simm.s32 $0x4000  }
.LBB2_1:
0x14: {  	s17 =	rddreg [dreg:$0x3]  }
0x15: {  	[tilespmem:s2], [sflag:$0x2] =	stream.linear.gather [hbm4b:s17+s2], $0x10000, $0x38;
	[tilespmem:$0x10100] =	vst v63  }
0x16: {  	_ =	swait.ge [sflag:s8], $0x10000  }
0x17: {  	s0 =	rddreg [dreg:$0x4];
	[sflag:s8] =	ssyncset.done $0x0  }
0x18: {  	s18 =	rddreg [dreg:$0x6];
	[sflag:s8] =	ssyncadd.s32 $0xFFFF0000  }
0x19: {  	[tilespmem:s18], [sflag:$0x2] =	stream.linear.gather [hbm4b:s0+s2], $0x40, $0x38;
	[tilespmem:$0x10100] =	vst v63  }
0x1a: {  	_ =	swait.ge [sflag:s8], $0x40  }
0x1b: {  	s18 =	rddreg [dreg:$0x5];
	[sflag:s8] =	ssyncset.done $0x0  }
0x1c: {  	s0 =	rddreg [dreg:$0x7];
	[sflag:s8] =	ssyncadd.s32 $0xFFFFFFC0  }
0x1d: {  	[tilespmem:s0], [sflag:$0x2] =	stream.linear.gather [hbm4b:s18+s2], $0x40, $0x38;
	[tilespmem:$0x10100] =	vst v63  }
0x1e: {  	_ =	swait.ge [sflag:s8], $0x40  }
0x1f: {  	[sflag:s8] =	ssyncset.done $0x0  }
0x20: {  	[sflag:s8] =	ssyncadd.s32 $0xFFFFFFC0  }
0x21: {  	v3 =	vld [tilespmem:$0x10000];
	_ =	sdelay $0x4  }
0x22: {  	v4 =	vshll.u32 v3, $0x3  }
0x23: {  	v3 =	vand.u32 $0x7, v3;
	v4 =	vand.u32 $0xFFFFFFC0, v4  }
0x24: {  	v3 =	vor.u32 v3, v4  }
0x25: {  	v4 =	vperm.xlane v3, v0;
	_ =	sdelay $0x1  }
0x26: {  	v4 =	vadd.s32 v1, v4;
	_ =	sdelay $0x4  }
0x27: {  	[hbm4b:s3+s2] =	stream.indirect_vreg.scatter [tilespmem:s2], [sflag:$0x1], $0x80, v4, vm0, $0xb8;
	[tilespmem:$0x10100] =	vst v63  }
0x28: {  	s17 =	simm.s32 $0x800;
	v3 =	vperm.xlane v3, v2  }
0x29: {  	[hbm4b:s4+s2] =	stream.indirect_vreg.scatter [tilespmem:s17], [sflag:$0x1], $0x80, v4, vm0, $0xb8;
	[tilespmem:$0x10100] =	vst v63  }
0x2a: {  	s18 =	simm.s32 $0x1000;
	v3 =	vadd.s32 v1, v3  }
0x2b: {  	[hbm4b:s5+s2] =	stream.indirect_vreg.scatter [tilespmem:s18], [sflag:$0x1], $0x80, v4, vm0, $0xb8;
	[tilespmem:$0x10100] =	vst v63  }
0x2c: {  	_ = 	snop  }
0x2d: {  	[hbm4b:s6+s2] =	stream.indirect_vreg.scatter [tilespmem:s19], [sflag:$0x1], $0x80, v4, vm0, $0xb8;
	[tilespmem:$0x10100] =	vst v63  }
0x2e: {  	_ = 	snop  }
0x2f: {  	[hbm4b:s3+s2] =	stream.indirect_vreg.scatter [tilespmem:s20], [sflag:$0x1], $0x80, v3, vm0, $0xb8;
	[tilespmem:$0x10100] =	vst v63  }
0x30: {  	_ = 	snop  }
0x31: {  	[hbm4b:s4+s2] =	stream.indirect_vreg.scatter [tilespmem:s21], [sflag:$0x1], $0x80, v3, vm0, $0xb8;
	[tilespmem:$0x10100] =	vst v63  }
0x32: {  	_ = 	snop  }
0x33: {  	[hbm4b:s5+s2] =	stream.indirect_vreg.scatter [tilespmem:s22], [sflag:$0x1], $0x80, v3, vm0, $0xb8;
	[tilespmem:$0x10100] =	vst v63  }
0x34: {  	_ = 	snop  }
0x35: {  	[hbm4b:s6+s2] =	stream.indirect_vreg.scatter [tilespmem:s23], [sflag:$0x1], $0x80, v3, vm0, $0xb8;
	[tilespmem:$0x10100] =	vst v63  }
0x36: {  	v3 =	vld [tilespmem:$0x10010];
	_ =	sdelay $0x4  }
0x37: {  	v57 =	vshll.u32 v3, $0x3  }
0x38: {  	v3 =	vand.u32 $0x7, v3;
	v4 =	vand.u32 $0xFFFFFFC0, v57  }
0x39: {  	v3 =	vor.u32 v3, v4  }
0x3a: {  	v4 =	vperm.xlane v3, v0;
	_ =	sdelay $0x1  }
0x3b: {  	v4 =	vadd.s32 v1, v4;
	_ =	sdelay $0x4  }
0x3c: {  	[hbm4b:s3+s2] =	stream.indirect_vreg.scatter [tilespmem:s24], [sflag:$0x1], $0x80, v4, vm0, $0xb8;
	[tilespmem:$0x10100] =	vst v63  }
0x3d: {  	v3 =	vperm.xlane v3, v2  }
0x3e: {  	[hbm4b:s4+s2] =	stream.indirect_vreg.scatter [tilespmem:s25], [sflag:$0x1], $0x80, v4, vm0, $0xb8;
	[tilespmem:$0x10100] =	vst v63  }
0x3f: {  	v3 =	vadd.s32 v1, v3  }
0x40: {  	[hbm4b:s5+s2] =	stream.indirect_vreg.scatter [tilespmem:s26], [sflag:$0x1], $0x80, v4, vm0, $0xb8;
	[tilespmem:$0x10100] =	vst v63  }
0x41: {  	_ = 	snop  }
0x42: {  	[hbm4b:s6+s2] =	stream.indirect_vreg.scatter [tilespmem:s28], [sflag:$0x1], $0x80, v4, vm0, $0xb8;
	[tilespmem:$0x10100] =	vst v63  }
0x43: {  	_ = 	snop  }
0x44: {  	[hbm4b:s3+s2] =	stream.indirect_vreg.scatter [tilespmem:s29], [sflag:$0x1], $0x80, v3, vm0, $0xb8;
	[tilespmem:$0x10100] =	vst v63  }
0x45: {  	_ = 	snop  }
0x46: {  	[hbm4b:s4+s2] =	stream.indirect_vreg.scatter [tilespmem:s30], [sflag:$0x1], $0x80, v3, vm0, $0xb8;
	[tilespmem:$0x10100] =	vst v63  }
0x47: {  	_ = 	snop  }
0x48: {  	[hbm4b:s5+s2] =	stream.indirect_vreg.scatter [tilespmem:s31], [sflag:$0x1], $0x80, v3, vm0, $0xb8;
	[tilespmem:$0x10100] =	vst v63  }
0x49: {  	_ = 	snop  }
0x4a: {  	[hbm4b:s6+s2] =	stream.indirect_vreg.scatter [tilespmem:s1], [sflag:$0x1], $0x80, v3, vm0, $0xb8;
	[tilespmem:$0x10100] =	vst v63  }
0x4b: {  	v3 =	vld [tilespmem:$0x10020];
	_ =	sdelay $0x4  }
0x4c: {  	v58 =	vshll.u32 v3, $0x3  }
0x4d: {  	v3 =	vand.u32 $0x7, v3;
	v4 =	vand.u32 $0xFFFFFFC0, v58  }
0x4e: {  	v3 =	vor.u32 v3, v4  }
0x4f: {  	v4 =	vperm.xlane v3, v0;
	_ =	sdelay $0x1  }
0x50: {  	v4 =	vadd.s32 v1, v4;
	_ =	sdelay $0x3  }
0x51: {  	s0 =	simm.s32 $0x8000  }
0x52: {  	[hbm4b:s3+s2] =	stream.indirect_vreg.scatter [tilespmem:s0], [sflag:$0x1], $0x80, v4, vm0, $0xb8;
	[tilespmem:$0x10100] =	vst v63  }
0x53: {  	v3 =	vperm.xlane v3, v2  }
0x54: {  	[hbm4b:s4+s2] =	stream.indirect_vreg.scatter [tilespmem:s9], [sflag:$0x1], $0x80, v4, vm0, $0xb8;
	[tilespmem:$0x10100] =	vst v63  }
0x55: {  	v3 =	vadd.s32 v1, v3  }
0x56: {  	[hbm4b:s5+s2] =	stream.indirect_vreg.scatter [tilespmem:s10], [sflag:$0x1], $0x80, v4, vm0, $0xb8;
	[tilespmem:$0x10100] =	vst v63  }
0x57: {  	_ = 	snop  }
0x58: {  	[hbm4b:s6+s2] =	stream.indirect_vreg.scatter [tilespmem:s11], [sflag:$0x1], $0x80, v4, vm0, $0xb8;
	[tilespmem:$0x10100] =	vst v63  }
0x59: {  	_ = 	snop  }
0x5a: {  	[hbm4b:s3+s2] =	stream.indirect_vreg.scatter [tilespmem:s12], [sflag:$0x1], $0x80, v3, vm0, $0xb8;
	[tilespmem:$0x10100] =	vst v63  }
0x5b: {  	_ = 	snop  }
0x5c: {  	[hbm4b:s4+s2] =	stream.indirect_vreg.scatter [tilespmem:s13], [sflag:$0x1], $0x80, v3, vm0, $0xb8;
	[tilespmem:$0x10100] =	vst v63  }
0x5d: {  	_ = 	snop  }
0x5e: {  	[hbm4b:s5+s2] =	stream.indirect_vreg.scatter [tilespmem:s14], [sflag:$0x1], $0x80, v3, vm0, $0xb8;
	[tilespmem:$0x10100] =	vst v63  }
0x5f: {  	_ = 	snop  }
0x60: {  	[hbm4b:s6+s2] =	stream.indirect_vreg.scatter [tilespmem:s15], [sflag:$0x1], $0x80, v3, vm0, $0xb8;
	[tilespmem:$0x10100] =	vst v63  }
0x61: {  	v3 =	vld [tilespmem:$0x10030];
	_ =	sdelay $0x4  }
0x62: {  	v59 =	vshll.u32 v3, $0x3  }
0x63: {  	v3 =	vand.u32 $0x7, v3;
	v4 =	vand.u32 $0xFFFFFFC0, v59  }
0x64: {  	v3 =	vor.u32 v3, v4  }
0x65: {  	v4 =	vperm.xlane v3, v0;
	_ =	sdelay $0x1  }
0x66: {  	v4 =	vadd.s32 v1, v4;
	_ =	sdelay $0x4  }
0x67: {  	[hbm4b:s3+s2] =	stream.indirect_vreg.scatter [tilespmem:s16], [sflag:$0x1], $0x80, v4, vm0, $0xb8;
	[tilespmem:$0x10100] =	vst v63  }
0x68: {  	s0 =	simm.s32 $0xC800;
	v3 =	vperm.xlane v3, v2  }
0x69: {  	[hbm4b:s4+s2] =	stream.indirect_vreg.scatter [tilespmem:s0], [sflag:$0x1], $0x80, v4, vm0, $0xb8;
	[tilespmem:$0x10100] =	vst v63  }
0x6a: {  	v3 =	vadd.s32 v1, v3;
	s0 =	simm.s32 $0xD000  }
0x6b: {  	[hbm4b:s5+s2] =	stream.indirect_vreg.scatter [tilespmem:s0], [sflag:$0x1], $0x80, v4, vm0, $0xb8;
	[tilespmem:$0x10100] =	vst v63  }
0x6c: {  	s0 =	simm.s32 $0xD800  }
0x6d: {  	[hbm4b:s6+s2] =	stream.indirect_vreg.scatter [tilespmem:s0], [sflag:$0x1], $0x80, v4, vm0, $0xb8;
	[tilespmem:$0x10100] =	vst v63  }
0x6e: {  	s0 =	simm.s32 $0xE000  }
0x6f: {  	[hbm4b:s3+s2] =	stream.indirect_vreg.scatter [tilespmem:s0], [sflag:$0x1], $0x80, v3, vm0, $0xb8;
	[tilespmem:$0x10100] =	vst v63  }
0x70: {  	s0 =	simm.s32 $0xE800  }
0x71: {  	[hbm4b:s4+s2] =	stream.indirect_vreg.scatter [tilespmem:s0], [sflag:$0x1], $0x80, v3, vm0, $0xb8;
	[tilespmem:$0x10100] =	vst v63  }
0x72: {  	s0 =	simm.s32 $0xF000  }
0x73: {  	[hbm4b:s5+s2] =	stream.indirect_vreg.scatter [tilespmem:s0], [sflag:$0x1], $0x80, v3, vm0, $0xb8;
	[tilespmem:$0x10100] =	vst v63  }
0x74: {  	s0 =	simm.s32 $0xF800  }
0x75: {  	[hbm4b:s6+s2] =	stream.indirect_vreg.scatter [tilespmem:s0], [sflag:$0x1], $0x80, v3, vm0, $0xb8;
	[tilespmem:$0x10100] =	vst v63  }
0x76: {  	v3 =	vld [tilespmem:$0x10080];
	_ =	sdelay $0x4  }
0x77: {  	v60 =	vshll.u32 v3, $0x3  }
0x78: {  	v3 =	vand.u32 $0x7, v3;
	v4 =	vand.u32 $0xFFFFFFC0, v60  }
0x79: {  	v3 =	vor.u32 v3, v4  }
0x7a: {  	v4 =	vperm.xlane v3, v0;
	_ =	sdelay $0x1  }
0x7b: {  	v4 =	vadd.s32 v1, v4;
	_ =	sdelay $0x4  }
0x7c: {  	[hbm4b:s3+s2] =	stream.indirect_vreg.scatter [tilespmem:s2], [sflag:$0x1], $0x80, v4, vm0, $0xb8;
	[tilespmem:$0x10100] =	vst v63  }
0x7d: {  	v3 =	vperm.xlane v3, v2  }
0x7e: {  	[hbm4b:s4+s2] =	stream.indirect_vreg.scatter [tilespmem:s17], [sflag:$0x1], $0x80, v4, vm0, $0xb8;
	[tilespmem:$0x10100] =	vst v63  }
0x7f: {  	v3 =	vadd.s32 v1, v3  }
0x80: {  	[hbm4b:s5+s2] =	stream.indirect_vreg.scatter [tilespmem:s18], [sflag:$0x1], $0x80, v4, vm0, $0xb8;
	[tilespmem:$0x10100] =	vst v63  }
0x81: {  	_ = 	snop  }
0x82: {  	[hbm4b:s6+s2] =	stream.indirect_vreg.scatter [tilespmem:s19], [sflag:$0x1], $0x80, v4, vm0, $0xb8;
	[tilespmem:$0x10100] =	vst v63  }
0x83: {  	_ = 	snop  }
0x84: {  	[hbm4b:s3+s2] =	stream.indirect_vreg.scatter [tilespmem:s20], [sflag:$0x1], $0x80, v3, vm0, $0xb8;
	[tilespmem:$0x10100] =	vst v63  }
0x85: {  	_ = 	snop  }
0x86: {  	[hbm4b:s4+s2] =	stream.indirect_vreg.scatter [tilespmem:s21], [sflag:$0x1], $0x80, v3, vm0, $0xb8;
	[tilespmem:$0x10100] =	vst v63  }
0x87: {  	_ = 	snop  }
0x88: {  	[hbm4b:s5+s2] =	stream.indirect_vreg.scatter [tilespmem:s22], [sflag:$0x1], $0x80, v3, vm0, $0xb8;
	[tilespmem:$0x10100] =	vst v63  }
0x89: {  	_ = 	snop  }
0x8a: {  	[hbm4b:s6+s2] =	stream.indirect_vreg.scatter [tilespmem:s23], [sflag:$0x1], $0x80, v3, vm0, $0xb8;
	[tilespmem:$0x10100] =	vst v63  }
0x8b: {  	v3 =	vld [tilespmem:$0x10090];
	_ =	sdelay $0x4  }
0x8c: {  	v61 =	vshll.u32 v3, $0x3  }
0x8d: {  	v3 =	vand.u32 $0x7, v3;
	v4 =	vand.u32 $0xFFFFFFC0, v61  }
0x8e: {  	v3 =	vor.u32 v3, v4  }
0x8f: {  	v4 =	vperm.xlane v3, v0;
	_ =	sdelay $0x1  }
0x90: {  	v4 =	vadd.s32 v1, v4;
	_ =	sdelay $0x4  }
0x91: {  	[hbm4b:s3+s2] =	stream.indirect_vreg.scatter [tilespmem:s24], [sflag:$0x1], $0x80, v4, vm0, $0xb8;
	[tilespmem:$0x10100] =	vst v63  }
0x92: {  	v3 =	vperm.xlane v3, v2  }
0x93: {  	[hbm4b:s4+s2] =	stream.indirect_vreg.scatter [tilespmem:s25], [sflag:$0x1], $0x80, v4, vm0, $0xb8;
	[tilespmem:$0x10100] =	vst v63  }
0x94: {  	v3 =	vadd.s32 v1, v3  }
0x95: {  	[hbm4b:s5+s2] =	stream.indirect_vreg.scatter [tilespmem:s26], [sflag:$0x1], $0x80, v4, vm0, $0xb8;
	[tilespmem:$0x10100] =	vst v63  }
0x96: {  	_ = 	snop  }
0x97: {  	[hbm4b:s6+s2] =	stream.indirect_vreg.scatter [tilespmem:s28], [sflag:$0x1], $0x80, v4, vm0, $0xb8;
	[tilespmem:$0x10100] =	vst v63  }
0x98: {  	_ = 	snop  }
0x99: {  	[hbm4b:s3+s2] =	stream.indirect_vreg.scatter [tilespmem:s29], [sflag:$0x1], $0x80, v3, vm0, $0xb8;
	[tilespmem:$0x10100] =	vst v63  }
0x9a: {  	_ = 	snop  }
0x9b: {  	[hbm4b:s4+s2] =	stream.indirect_vreg.scatter [tilespmem:s30], [sflag:$0x1], $0x80, v3, vm0, $0xb8;
	[tilespmem:$0x10100] =	vst v63  }
0x9c: {  	_ = 	snop  }
0x9d: {  	[hbm4b:s5+s2] =	stream.indirect_vreg.scatter [tilespmem:s31], [sflag:$0x1], $0x80, v3, vm0, $0xb8;
	[tilespmem:$0x10100] =	vst v63  }
0x9e: {  	_ = 	snop  }
0x9f: {  	[hbm4b:s6+s2] =	stream.indirect_vreg.scatter [tilespmem:s1], [sflag:$0x1], $0x80, v3, vm0, $0xb8;
	[tilespmem:$0x10100] =	vst v63  }
0xa0: {  	v3 =	vld [tilespmem:$0x100A0];
	_ =	sdelay $0x4  }
0xa1: {  	v62 =	vshll.u32 v3, $0x3  }
0xa2: {  	v3 =	vand.u32 $0x7, v3;
	v4 =	vand.u32 $0xFFFFFFC0, v62  }
0xa3: {  	v3 =	vor.u32 v3, v4  }
0xa4: {  	v4 =	vperm.xlane v3, v0;
	_ =	sdelay $0x1  }
0xa5: {  	v4 =	vadd.s32 v1, v4;
	_ =	sdelay $0x3  }
0xa6: {  	s18 =	simm.s32 $0x8000  }
0xa7: {  	[hbm4b:s3+s2] =	stream.indirect_vreg.scatter [tilespmem:s18], [sflag:$0x1], $0x80, v4, vm0, $0xb8;
	[tilespmem:$0x10100] =	vst v63  }
0xa8: {  	v3 =	vperm.xlane v3, v2  }
0xa9: {  	[hbm4b:s4+s2] =	stream.indirect_vreg.scatter [tilespmem:s9], [sflag:$0x1], $0x80, v4, vm0, $0xb8;
	[tilespmem:$0x10100] =	vst v63  }
0xaa: {  	v3 =	vadd.s32 v1, v3  }
0xab: {  	[hbm4b:s5+s2] =	stream.indirect_vreg.scatter [tilespmem:s10], [sflag:$0x1], $0x80, v4, vm0, $0xb8;
	[tilespmem:$0x10100] =	vst v63  }
0xac: {  	_ = 	snop  }
0xad: {  	[hbm4b:s6+s2] =	stream.indirect_vreg.scatter [tilespmem:s11], [sflag:$0x1], $0x80, v4, vm0, $0xb8;
	[tilespmem:$0x10100] =	vst v63  }
0xae: {  	_ = 	snop  }
0xaf: {  	[hbm4b:s3+s2] =	stream.indirect_vreg.scatter [tilespmem:s12], [sflag:$0x1], $0x80, v3, vm0, $0xb8;
	[tilespmem:$0x10100] =	vst v63  }
0xb0: {  	_ = 	snop  }
0xb1: {  	[hbm4b:s4+s2] =	stream.indirect_vreg.scatter [tilespmem:s13], [sflag:$0x1], $0x80, v3, vm0, $0xb8;
	[tilespmem:$0x10100] =	vst v63  }
0xb2: {  	_ = 	snop  }
0xb3: {  	[hbm4b:s5+s2] =	stream.indirect_vreg.scatter [tilespmem:s14], [sflag:$0x1], $0x80, v3, vm0, $0xb8;
	[tilespmem:$0x10100] =	vst v63  }
0xb4: {  	_ = 	snop  }
0xb5: {  	[hbm4b:s6+s2] =	stream.indirect_vreg.scatter [tilespmem:s15], [sflag:$0x1], $0x80, v3, vm0, $0xb8;
	[tilespmem:$0x10100] =	vst v63  }
0xb6: {  	v3 =	vld [tilespmem:$0x100B0];
	_ =	sdelay $0x4  }
0xb7: {  	v63 =	vshll.u32 v3, $0x3  }
0xb8: {  	v3 =	vand.u32 $0x7, v3;
	v4 =	vand.u32 $0xFFFFFFC0, v63  }
0xb9: {  	v3 =	vor.u32 v3, v4  }
0xba: {  	v4 =	vperm.xlane v3, v0;
	_ =	sdelay $0x1  }
0xbb: {  	v4 =	vadd.s32 v1, v4;
	_ =	sdelay $0x4  }
0xbc: {  	[hbm4b:s3+s2] =	stream.indirect_vreg.scatter [tilespmem:s16], [sflag:$0x1], $0x80, v4, vm0, $0xb8;
	[tilespmem:$0x10100] =	vst v63  }
0xbd: {  	s17 =	simm.s32 $0xC800;
	v3 =	vperm.xlane v3, v2  }
0xbe: {  	[hbm4b:s4+s2] =	stream.indirect_vreg.scatter [tilespmem:s17], [sflag:$0x1], $0x80, v4, vm0, $0xb8;
	[tilespmem:$0x10100] =	vst v63  }
0xbf: {  	s18 =	simm.s32 $0xD000;
	v3 =	vadd.s32 v1, v3  }
0xc0: {  	[hbm4b:s5+s2] =	stream.indirect_vreg.scatter [tilespmem:s18], [sflag:$0x1], $0x80, v4, vm0, $0xb8;
	[tilespmem:$0x10100] =	vst v63  }
0xc1: {  	s17 =	simm.s32 $0xD800  }
0xc2: {  	[hbm4b:s6+s2] =	stream.indirect_vreg.scatter [tilespmem:s17], [sflag:$0x1], $0x80, v4, vm0, $0xb8;
	[tilespmem:$0x10100] =	vst v63  }
0xc3: {  	s18 =	simm.s32 $0xE000  }
0xc4: {  	[hbm4b:s3+s2] =	stream.indirect_vreg.scatter [tilespmem:s18], [sflag:$0x1], $0x80, v3, vm0, $0xb8;
	[tilespmem:$0x10100] =	vst v63  }
0xc5: {  	s17 =	simm.s32 $0xE800  }
0xc6: {  	[hbm4b:s4+s2] =	stream.indirect_vreg.scatter [tilespmem:s17], [sflag:$0x1], $0x80, v3, vm0, $0xb8;
	[tilespmem:$0x10100] =	vst v63  }
0xc7: {  	s18 =	simm.s32 $0xF000  }
0xc8: {  	[hbm4b:s5+s2] =	stream.indirect_vreg.scatter [tilespmem:s18], [sflag:$0x1], $0x80, v3, vm0, $0xb8;
	[tilespmem:$0x10100] =	vst v63  }
0xc9: {  	s17 =	simm.s32 $0xF800;
	s18 =	simm.s32 $0x1  }
0xca: {  	[hbm4b:s6+s2] =	stream.indirect_vreg.scatter [tilespmem:s17], [sflag:$0x1], $0x80, v3, vm0, $0xb8;
	[tilespmem:$0x10100] =	vst v63  }
0xcb: {  	p0 =	sne.s32 s7, $0x1;
	_ =	swait.ge [sflag:s18], $0x10000  }
.Ltmp0:
0xcc: {  	[sflag:s18] =	ssyncset.done $0x0;
	(pc) =	sbr.rel @p0 .LBB2_1-.Ltmp0, $4  }
0xcd: {  	[sflag:s18] =	ssyncadd.s32 $0xFFFF0000  }
0xce: {  	_ =	swait.ge [sflag:s18], $0x10000  }
0xcf: {  	[sflag:s18] =	ssyncset.done $0x0  }
0xd0: {  	s7 =	sadd.s32 $0xFFFFFFFF, s7;
	[sflag:s18] =	ssyncadd.s32 $0xFFFF0000  }
0xd1: {  	_ =	sfence.sel $0x180000  }
0xd2: {  	[bflag:$0x0] =	sbarrier.arrive $0xFFFF  }
0xd3: {  	_ =	strace $0x90000047  }
0xd4: {  	s0 =	stileid.u32;
	[bflag:$0x2] =	sbarrier.arrive $0xFFFF  }
0xd5: {  	p0 =	sne.s32 s0, $0x0;
	s0 =	rddreg [dreg:$0x2]  }
0xd6: {  	s0 =	sadd.s32 @!p0 $0x100000, s0  }
0xd7: {  	[sflag:s0] =	ssyncadd.tile.s32 @!p0 $0x1;
	_ =	shalt  }
.Lfunc_end2:
_tile_overlayer_lowered:
.L_overlay_start_2:
0xd8: {  	(tag) =	ssettag $0x2  }
0xd9: {  	s0 =	rddreg [dreg:$0x0];
	s2 =	stileid.u32  }
0xda: {  	s1 =	rddreg [dreg:$0x1];
	p0 =	sne.s32 s2, $0x0  }
0xdb: {  	s3 =	rddreg [dreg:$0x2];
	[bflag:$0x3] =	sbarrier.arrive $0xFFFF;
	s2 =	simm.s32 @!p0 $0x1C02  }
0xdc: {  	[timem:s3], [sflag:s2] =	dma.local @!p0 [hbm:s0], s1  }
0xdd: {  	s0 =	simm.s32 @!p0 $0x2  }
0xde: {  	_ =	swait.ge @!p0 [sflag:s0], s1  }
0xdf: {  	s1 =	ssub.s32 @!p0 $0x0, s1;
	[sflag:s0] =	ssyncset.done @!p0 $0x0  }
0xe0: {  	[sflag:s0] =	ssyncadd.s32 @!p0 s1  }
0xe1: {  	[bflag:$0x3] =	sbarrier.arrive $0xFFFF  }
0xe2: {  	_ =	shalt  }

// kernel: sparse-core-data-format-call.cloned.1.call-start
scs
called_computation_lowered:
.L_overlay_start_0:
0x0: {  	s1 =	sld [smem:$0x3FD9]  }
0x1: {  	s2 =	sld [smem:$0x3FFE];
	_ =	sdelay $0x1  }
0x2: {  	s3 =	srdreg.scid  }
0x3: {  	s0 =	sand.u32 $0x1, s3  }
0x4: {  	s17 =	sshll.u32 s0, $0xA;
	s1 =	sadd.s32 s2, s1  }
0x5: {  	s1 =	sadd.s32 s1, s17  }
0x6: {  	[smem:$0x3FC3] =	sst s1  }
0x7: {  	_ = 	snop  }
0x8: {  	(tm) =	ssettm $0x1  }
0x9: {  	s18 =	sld [smem:$0x3FFB];
	_ =	sdelay $0x3  }
0xa: {  	_ =	strace s18  }
0xb: {  	s1 =	sld [smem:$0x3FFC];
	_ =	sdelay $0x3  }
0xc: {  	_ =	strace s1  }
0xd: {  	s1 =	sld [smem:$0x3FFD];
	_ =	sdelay $0x3  }
0xe: {  	_ =	strace s1  }
0xf: {  	_ =	strace $0x8FFFFFFF  }
0x10: {  	s19 =	sld [smem:$0x3FDB];
	_ =	sdelay $0x1  }
0x11: {  	s20 =	simm.s32 $_scs_section_size  }
0x12: {  	s4 =	simm.s32 $_size__tile_overlayer_lowered;
	s5 =	simm.s32 $_tile_overlayer_lowered  }
0x13: {  	s23 =	simm.s32 $0x1BFF;
	s22 =	sshll.u32 s5, $0x1;
	s1 =	sadd.s32 s20, s19  }
0x14: {  	s6 =	simm.s32 $0x0;
	s21 =	sshll.u32 s4, $0x1;
	s4 =	sadd.s32 s22, s1  }
0x15: {  	[timem:s6], [sflag:s23] =	dma.local [hbm:s4], s21  }
0x16: {  	_ =	swait.ge [sflag:s23], s21  }
0x17: {  	s2 =	ssub.s32 $0x0, s21;
	[sflag:s23] =	ssyncset.done $0x0  }
0x18: {  	[sflag:s23] =	ssyncadd.s32 s2;
	_ =	sdelay $0x1  }
0x19: {  	s24 =	simm.s32 $0x1B8B  }
0x1a: {  	_ =	swait.ge [sflag:s24], $0x1  }
0x1b: {  	[sflag:s24] =	ssyncset.done $0x0  }
0x1c: {  	s26 =	simm.s32 $0x1B8E;
	s25 =	sld [smem:$0x3FFE];
	[sflag:s24] =	ssyncadd.s32 $0xFFFFFFFF  }
0x1d: {  	s27 =	simm.s32 $execute0_lowered;
	[smem:$0x3FD2] =	sst s26  }
0x1e: {  	s4 =	sshll.u32 s27, $0x1;
	_ =	strace $0x80000049;
	[dreg:$0x1] =	wrdreg $0xFFFFFFFF  }
0x1f: {  	s28 =	simm.s32 $_size_execute0_lowered;
	s1 =	sadd.s32 s1, s4;
	[dreg:$0x0] =	wrdreg $0x0  }
0x20: {  	s4 =	sshll.u32 s28, $0x1;
	[dreg:$0x2] =	wrdreg s1  }
0x21: {  	[dreg:$0x3] =	wrdreg s4  }
0x22: {  	[dreg:$0x4] =	wrdreg $0xC0  }
0x23: {  	_ =	task [dreg:s6], $0x5FFFF  }
0x24: {  	[dreg:$0x1] =	wrdreg $0xFFFFFFFF  }
0x25: {  	[dreg:$0x0] =	wrdreg $0x60  }
0x26: {  	[dreg:$0x2] =	wrdreg s25  }
0x27: {  	[dreg:$0x3] =	wrdreg $0x9  }
0x28: {  	_ =	task.clear_ibuf [dreg:s6], $0x4FFFF;
	_ =	strace $0x90000049  }
0x29: {  	s29 =	simm.s32 $0x9;
	_ =	strace $0x8000004B  }
0x2a: {  	_ =	swait.ge [sflag:s29], $0x1  }
0x2b: {  	[sflag:s29] =	ssyncadd.s32 $0xFFFFFFFF  }
0x2c: {  	_ =	strace $0x9000004B  }
0x2d: {  	_ =	sfence  }
0x2e: {  	s30 =	sld [smem:$0x0];
	_ =	sdelay $0x2  }
0x2f: {  	s31 =	sshll.u32 s3, $0xD;
	s3 =	sshrl.u32 s3, $0x2  }
0x30: {  	s2 =	sand.u32 $0x4000, s31;
	s1 =	sadd.s32 s3, s30  }
0x31: {  	s0 =	sor.u32 s2, s0;
	s1 =	sshll.u32 s1, $0x11  }
0x32: {  	s0 =	sor.u32 s1, s0  }
0x33: {  	s0 =	sadd.s32 $0x8F2B, s0  }
0x34: {  	[sflag:s0] =	ssyncadd.remote.s32 $0x1  }
0x35: {  	_ =	sfence.sel $0xFFFF  }
0x36: {  	[dreg:$0x0] =	wrdreg $0xFFFFFFFF;
	(pc) =	sbr.abs _section_cstart, $3  }
0x37: {  	[dreg:$0x1] =	wrdreg $0xFFFFFFFF  }
0x38: {  	_ =	task.clear_ibuf [dreg:s6], $0x2FFFF;
	_ =	strace $0x9FFFFFFF  }
0x39: {  	(tm) =	ssettm $0x7FFFFFFF  }
tec
execute0_lowered:
.L_overlay_start_1:
0x0: {  	(tag) =	ssettag $0x1  }
0x1: {  	s7 =	rddreg [dreg:$0x0]  }
0x2: {  	s1 =	stileid.u32;
	s3 =	srdreg.scid  }
0x3: {  	s0 =	rddreg [dreg:$0x1];
	_ =	strace $0x8000004A;
	s8 =	simm.s32 $0x1  }
0x4: {  	s31 =	simm.s32 $0x2;
	s14 =	simm.s32 $0x0;
	s13 =	simm.s32 $0x0  }
0x5: {  	s12 =	simm.s32 $0x0;
	s2 =	sshll.u32 s1, $0x7;
	s3 =	sshll.u32 s3, $0x7  }
0x6: {  	s3 =	sand.u32 $0x80, s3;
	s4 =	ssub.s32 $0x800, s2;
	s11 =	smov.u32 s2  }
0x7: {  	s5 =	sshrl.u32 s4, $0xB;
	s4 =	sand.u32 $0x780, s4;
	s6 =	ssub.s32 $0x1000, s3  }
0x8: {  	p0 =	sne.s32 s4, $0x0;
	s30 =	sshrl.u32 s6, $0x7;
	s6 =	sshrl.u32 s6, $0x8  }
.Ltmp0:
0x9: {  	s8 =	simm.s32 @!p0 $0x0;
	s9 =	sand.u32 $0x1, s30;
	(pc) =	sbr.rel .LBB1_1-.Ltmp0, $4  }
0xa: {  	s4 =	simm.s32 $0x1;
	s5 =	sadd.s32 s8, s5;
	s6 =	sadd.s32 s6, s9  }
0xb: {  	s10 =	smov.u32 s3;
	[sflag:s4] =	ssyncpa.u1 $0x0;
	s5 =	smul.u32 s5, s6  }
0xc: {  	p0 =	por $0x0, $0x0;
	[sflag:s31] =	ssyncpa.u1 $0x0;
	s9 =	simm.s32 $0x4000  }
0xd: {  	s6 =	sadd.s32 $0x119000, s7;
	s7 =	sadd.s32 $0x19000, s7;
	s8 =	sadd.s32 $0x1, s5  }
.LBB1_4:
0xe: {  	v5 =	vld [tilespmem:s17+$0xFFFFFFD0]  }
0xf: {  	[tilespmem:s18+$0x2040 ss:$0x81] =	vst.msk $0xffff, v1;
	v58 =	vld [tilespmem:s17+$0xFFFFFFE0]  }
0x10: {  	[tilespmem:s18+$0x2850 ss:$0x81] =	vst.msk $0xffff, v2;
	v59 =	vld [tilespmem:s17+$0xFFFFFFF0]  }
0x11: {  	s19 =	sshra.s32 s19, $0x2;
	[tilespmem:s18+$0x3060 ss:$0x81] =	vst.msk $0xffff, v3;
	v60 =	vld [tilespmem:s17+$0x0]  }
0x12: {  	[tilespmem:s18+$0x0 ss:$0x81] =	vst.msk $0xffff, v0;
	v61 =	vld [tilespmem:s17+$0x10];
	s16 =	sadd.s32 s19, s16  }
0x13: {  	s26 =	sshll.u32 s14, $0xB;
	v62 =	vld [tilespmem:s17+$0x20];
	[tilespmem:s16+$0x3870 ss:$0x81] =	vst.msk $0xffff, v4  }
0x14: {  	s27 =	sand.u32 $0x78, s13;
	s20 =	sshll.u32 s13, $0x3;
	v63 =	vld [tilespmem:s17+$0xFFFFFFC0];
	s29 =	sshll.u32 s14, $0x7;
	[tilespmem:s16+$0x810 ss:$0x81] =	vst.msk $0xffff, v5  }
0x15: {  	s18 =	sand.u32 $0x7FC000, s26;
	s28 =	sand.u32 $0x7FFC00, s20;
	s20 =	sand.u32 $0x400, s20;
	[tilespmem:s16+$0x1020 ss:$0x81] =	vst.msk $0xffff, v58  }
0x16: {  	s14 =	sand.u32 $0x380, s29;
	s17 =	sadd.s32 s28, s18;
	s30 =	sor.u32 s27, s20;
	[tilespmem:s16+$0x1830 ss:$0x81] =	vst.msk $0xffff, v59  }
0x17: {  	s17 =	sand.u32 $0x7FF800, s17;
	s14 =	sor.u32 s14, s30;
	[tilespmem:s16+$0x2040 ss:$0x81] =	vst.msk $0xffff, v60  }
0x18: {  	s31 =	sand.u32 $0x7, s13;
	s14 =	sor.u32 s17, s14;
	[tilespmem:s16+$0x2850 ss:$0x81] =	vst.msk $0xffff, v61  }
0x19: {  	s13 =	sshll.u32 s31, $0x12;
	[tilespmem:s16+$0x3060 ss:$0x81] =	vst.msk $0xffff, v62;
	s14 =	sshrl.u32 s14, $0x3  }
0x1a: {  	s13 =	sor.u32 $0x400, s13;
	[tilespmem:s16+$0x0 ss:$0x81] =	vst.msk $0xffff, v63;
	s14 =	sadd.s32 s7, s14  }
0x1b: {  	[hbm4b:s14+s13] =	stream.strided.scatter [tilespmem:s15], [sflag:$0x2], $0x4000, s9, s13, $0x20;
	[tilespmem:$0x10100] =	vst v63  }
.LBB1_5:
0x1c: {  	s15 =	sadd.s32 $0x100, s10  }
0x1d: {  	s13 =	sadd.s32 $0x800, s11;
	s17 =	smov.u32 s11;
	p2 =	sgt.s32 s15, $0xFFF  }
0x1e: {  	s17 =	smov.u32 @p2 s13  }
0x1f: {  	s15 =	smov.u32 @p2 s3;
	p2 =	sgt.s32 s17, $0x7FF  }
0x20: {  	s17 =	smov.u32 @p2 s2;
	p2 =	sne.s32 s12, s8  }
.Ltmp1:
0x21: {  	p1 =	slt.u32 s12, $0x2;
	(pc) =	sbr.rel @!p2 .LBB1_6-.Ltmp1, $4  }
0x22: {  	s16 =	simm.s32 @!p1 $0x2  }
0x23: {  	s14 =	smov.u32 s10;
	p0 =	por !p0, !p0;
	_ =	swait.ge @!p1 [sflag:s16], $0x4000  }
0x24: {  	s13 =	smov.u32 s11;
	[sflag:s16] =	ssyncset.done @!p1 $0x0;
	s10 =	smov.u32 s15  }
0x25: {  	s12 =	sadd.s32 $0x1, s12;
	[sflag:s16] =	ssyncadd.s32 @!p1 $0xFFFFC000;
	s11 =	smov.u32 s17  }
.LBB1_1:
0x26: {  	p1 =	sge.u32 s12, s5;
	s31 =	sadd.s32 $0xFFFFFFFF, s12  }
0x27: {  	s15 =	sand.u32 @!p1 $0x78, s10;
	s16 =	sshll.u32 @!p1 s11, $0xC;
	s17 =	sshll.u32 @!p1 s11, $0x7  }
0x28: {  	s18 =	sshll.u32 @!p1 s10, $0x3;
	s16 =	sand.u32 @!p1 $0x7F8000, s16;
	s17 =	sand.u32 @!p1 $0x380, s17  }
0x29: {  	s16 =	sadd.s32 @!p1 s16, s18;
	s18 =	sand.u32 @!p1 $0xC00, s18;
	s15 =	sor.u32 @!p1 s17, s15  }
0x2a: {  	s17 =	sxor.u32 @!p1 $0xFFFFFFFF, s12;
	s16 =	sand.u32 @!p1 $0x7FF000, s16;
	s15 =	sor.u32 @!p1 s18, s15  }
0x2b: {  	s17 =	sshll.u32 @!p1 s17, $0xE;
	s15 =	sor.u32 @!p1 s16, s15;
	s16 =	sand.u32 @!p1 $0x7, s10  }
0x2c: {  	s18 =	simm.s32 @!p1 $0x8000;
	s15 =	sshrl.u32 @!p1 s15, $0x3;
	s16 =	sshll.u32 @!p1 s16, $0x12  }
0x2d: {  	s17 =	sand.u32 @!p1 $0x4000, s17;
	s15 =	sadd.s32 @!p1 s6, s15;
	s16 =	sor.u32 @!p1 $0x400, s16  }
0x2e: {  	[tilespmem:s17], [sflag:$0x1] =	stream.strided.gather @!p1 [hbm4b:s15+s16], $0x4000, s18, s16, $0x38;
	[tilespmem:$0x10100] =	vst v63  }
0x2f: {  	p1 =	sge.u32 s31, s5  }
.Ltmp2:
0x30: {  	_ = 	snop;
	(pc) =	sbr.rel @p1 .LBB1_5-.Ltmp2, $1  }
0x31: {  	_ =	sdelay $0x3  }
0x32: {  	s15 =	simm.s32 $0x1  }
0x33: {  	_ =	swait.ge [sflag:s4], $0x4000;
	s15 =	simm.s32 @!p0 $0x0  }
0x34: {  	[sflag:s4] =	ssyncset.done $0x0;
	s16 =	sshll.u32 s15, $0xE  }
0x35: {  	[sflag:s4] =	ssyncadd.s32 $0xFFFFC000;
	s17 =	sor.u32 $0x40, s16  }
0x36: {  	s15 =	smul.u32 $0x10200, s15;
	v0 =	vld [tilespmem:s17+$0x30]  }
0x37: {  	v3 =	vld [tilespmem:s17+$0xFFFFFFD0]  }
0x38: {  	s15 =	sshrl.u32 s15, $0x2;
	v4 =	vld [tilespmem:s17+$0xFFFFFFE0]  }
0x39: {  	v5 =	vld [tilespmem:s17+$0xFFFFFFF0];
	s16 =	sor.u32 $0x8000, s15  }
0x3a: {  	s31 =	sand.u32 $0x1, s12;
	v1 =	vld [tilespmem:s17+$0x0];
	s18 =	sadd.s32 $0x0, s16  }
0x3b: {  	v2 =	vld [tilespmem:s17+$0x10];
	s15 =	smul.u32 $0x10200, s31;
	[tilespmem:s18+$0x3870 ss:$0x81] =	vst.msk $0xffff, v0  }
0x3c: {  	[tilespmem:s18+$0x810 ss:$0x81] =	vst.msk $0xffff, v3;
	v3 =	vld [tilespmem:s17+$0x20]  }
0x3d: {  	s15 =	sshrl.u32 s15, $0x2;
	v0 =	vld [tilespmem:s17+$0xFFFFFFC0];
	[tilespmem:s18+$0x1020 ss:$0x81] =	vst.msk $0xffff, v4;
	s17 =	sadd.s32 $0x80, s17  }
0x3e: {  	s19 =	simm.s32 $0x4;
	s20 =	simm.s32 $0x8;
	s15 =	sor.u32 $0x8000, s15;
	[tilespmem:s18+$0x1830 ss:$0x81] =	vst.msk $0xffff, v5;
	v4 =	vld [tilespmem:s17+$0x30]  }
.LBB1_3:
0x3f: {  	p1 =	sne.s32 s20, $0x1FC;
	v5 =	vld [tilespmem:s17+$0xFFFFFFD0];
	[tilespmem:s18+$0x2040 ss:$0x81] =	vst.msk $0xffff, v1  }
0x40: {  	v6 =	vld [tilespmem:s17+$0xFFFFFFE0];
	[tilespmem:s18+$0x2850 ss:$0x81] =	vst.msk $0xffff, v2  }
0x41: {  	s21 =	sshra.s32 s19, $0x2;
	s19 =	smov.u32 s20;
	v7 =	vld [tilespmem:s17+$0xFFFFFFF0];
	[tilespmem:s18+$0x3060 ss:$0x81] =	vst.msk $0xffff, v3  }
.Ltmp3:
0x42: {  	v1 =	vld [tilespmem:s17+$0x0];
	[tilespmem:s18+$0x0 ss:$0x81] =	vst.msk $0xffff, v0;
	s18 =	sadd.s32 s21, s16;
	(pc) =	sbr.rel @p1 .LBB1_3-.Ltmp3, $4  }
0x43: {  	v2 =	vld [tilespmem:s17+$0x10];
	[tilespmem:s18+$0x3870 ss:$0x81] =	vst.msk $0xffff, v4  }
0x44: {  	[tilespmem:s18+$0x810 ss:$0x81] =	vst.msk $0xffff, v5;
	v3 =	vld [tilespmem:s17+$0x20]  }
0x45: {  	v0 =	vld [tilespmem:s17+$0xFFFFFFC0];
	[tilespmem:s18+$0x1020 ss:$0x81] =	vst.msk $0xffff, v6;
	s17 =	sadd.s32 $0x80, s17  }
0x46: {  	s20 =	sadd.s32 $0x4, s20;
	v4 =	vld [tilespmem:s17+$0x30];
	[tilespmem:s18+$0x1830 ss:$0x81] =	vst.msk $0xffff, v7  }
.Ltmp4:
0x47: {  	_ = 	snop;
	(pc) =	sbr.rel .LBB1_4-.Ltmp4, $1  }
0x48: {  	_ =	sdelay $0x3  }
.LBB1_6:
0x49: {  	_ =	sfence.sel $0x180000  }
0x4a: {  	s2 =	simm.s32 $0x1;
	[bflag:$0x0] =	sbarrier.arrive $0xFFFF  }
0x4b: {  	s31 =	simm.s32 $0x2;
	[sflag:s2] =	ssyncpa.u1 $0x1  }
0x4c: {  	[sflag:s31] =	ssyncpa.u1 $0x1  }
0x4d: {  	p0 =	sne.s32 s1, $0x0;
	_ =	strace $0x9000004A  }
0x4e: {  	s0 =	sadd.s32 @!p0 $0x100000, s0;
	[bflag:$0x2] =	sbarrier.arrive $0xFFFF  }
0x4f: {  	[sflag:s0] =	ssyncadd.tile.s32 @!p0 $0x1;
	_ =	shalt  }
.Lfunc_end1:
_tile_overlayer_lowered:
.L_overlay_start_2:
0x50: {  	(tag) =	ssettag $0x2  }
0x51: {  	s0 =	rddreg [dreg:$0x0];
	s2 =	stileid.u32  }
0x52: {  	s1 =	rddreg [dreg:$0x1];
	p0 =	sne.s32 s2, $0x0  }
0x53: {  	s3 =	rddreg [dreg:$0x2];
	[bflag:$0x3] =	sbarrier.arrive $0xFFFF;
	s2 =	simm.s32 @!p0 $0x1C01  }
0x54: {  	[timem:s3], [sflag:s2] =	dma.local @!p0 [hbm:s0], s1  }
0x55: {  	s0 =	simm.s32 @!p0 $0x1  }
0x56: {  	_ =	swait.ge @!p0 [sflag:s0], s1  }
0x57: {  	s1 =	ssub.s32 @!p0 $0x0, s1;
	[sflag:s0] =	ssyncset.done @!p0 $0x0  }
0x58: {  	[sflag:s0] =	ssyncadd.s32 @!p0 s1  }
0x59: {  	[bflag:$0x3] =	sbarrier.arrive $0xFFFF  }
0x5a: {  	_ =	shalt  }

</sc_bundles>
